<compile_context>
chip_gen: v7x
topology: tpu7x:2x2x1
jax: 0.10.2.dev20260603
libtpu: 0.0.44.dev20260713+nightly
codegen_flags: <defaults>
</compile_context>

<pallas_src>
import functools

import jax
import jax.numpy as jnp
from jax import lax
from jax.experimental import pallas as pl
from jax.experimental.pallas import tpu as pltpu
from jax.experimental.pallas import tpu_sc as plsc

B, S, D = 1, 2048, 768
E, K, F = 8, 2, 768
ALPHA, LIMIT = 1.702, 7.0

T = B * S
P2 = 2 * T
BLK = 256
NROWS = P2 + E * BLK
NB = NROWS // BLK
CHUNK = 512

NSUB = 32
PAIRS_PER = P2 // NSUB
TOK_PER = T // NSUB
HALF = TOK_PER // 2


def _router_body(x_ref, wr_ref, br_ref, pos_ref, wp_ref, be_ref, xi_ref,
                 act_ref):
    x = x_ref[...]
    logits = jnp.dot(x, wr_ref[...], preferred_element_type=jnp.float32)
    logits = logits + br_ref[...]
    ids = lax.broadcasted_iota(jnp.int32, (T, E), 1)
    m1 = jnp.max(logits, axis=1, keepdims=True)
    i1 = jnp.min(jnp.where(logits == m1, ids, E), axis=1, keepdims=True)
    mask1 = ids == i1
    l2 = jnp.where(mask1, -jnp.inf, logits)
    m2 = jnp.max(l2, axis=1, keepdims=True)
    i2 = jnp.min(jnp.where(l2 == m2, ids, E), axis=1, keepdims=True)
    mask2 = ids == i2
    tt = jnp.exp(m2 - m1)
    w1 = 1.0 / (1.0 + tt)
    w2 = 1.0 - w1

    oh = jnp.concatenate([mask1, mask2], axis=0).astype(jnp.float32)
    wp_ref[...] = jnp.concatenate([w1, w2], axis=0)

    ci = lax.broadcasted_iota(jnp.int32, (CHUNK, CHUNK), 0)
    cj = lax.broadcasted_iota(jnp.int32, (CHUNK, CHUNK), 1)
    tri = (cj <= ci).astype(jnp.float32)
    run = jnp.zeros((1, E), jnp.float32)
    chunks = []
    for c in range(P2 // CHUNK):
        seg = oh[c * CHUNK:(c + 1) * CHUNK]
        cs = jnp.dot(tri, seg, preferred_element_type=jnp.float32) + run
        run = cs[CHUNK - 1:CHUNK, :]
        chunks.append(cs)
    cums = jnp.concatenate(chunks, axis=0)

    counts = run.astype(jnp.int32)
    padded = ((counts + (BLK - 1)) // BLK) * BLK
    ei = lax.broadcasted_iota(jnp.int32, (E, E), 0)
    ej = lax.broadcasted_iota(jnp.int32, (E, E), 1)
    mex = (ei < ej).astype(jnp.float32)
    offs = jnp.dot(padded.astype(jnp.float32), mex,
                   preferred_element_type=jnp.float32)
    pos_ref[...] = jnp.sum(oh * (offs + cums - 1.0), axis=1,
                           keepdims=True).astype(jnp.int32)

    total = jnp.sum(padded)
    n_active = total // BLK
    bi = lax.broadcasted_iota(jnp.int32, (NB, 1), 0)
    bstart = bi * BLK
    offs_b = jnp.broadcast_to(offs.astype(jnp.int32), (NB, E))
    be = jnp.sum((offs_b <= bstart).astype(jnp.int32), axis=1,
                 keepdims=True) - 1
    act = (bstart < total).astype(jnp.int32)
    be_last = jnp.max(jnp.where(act == 1, be, -1), axis=0, keepdims=True)
    be_ref[...] = jnp.where(act == 1, be, be_last)
    xi_ref[...] = jnp.minimum(bi, n_active - 1)
    act_ref[...] = act


def _expert_body(be_ref, xi_ref, act_ref, xs_ref, wgu_ref, bgu_ref, wd2_ref,
                 bd_ref, y_ref):
    b = pl.program_id(0)

    @pl.when(act_ref[b] == 1)
    def _():
        x = xs_ref[...].astype(jnp.bfloat16)
        gu = jnp.dot(x, wgu_ref[0], preferred_element_type=jnp.float32)
        gu = gu + bgu_ref[0]
        g = pltpu.roll(gu, 1, 1)
        g = jnp.minimum(g, LIMIT)
        u = jnp.clip(gu, -LIMIT, LIMIT)
        actv = (u + 1.0) * (g * jax.nn.sigmoid(g * ALPHA))
        y = jnp.dot(actv.astype(jnp.bfloat16), wd2_ref[0],
                    preferred_element_type=jnp.float32)
        y_ref[...] = y + bd_ref[0]


def _cast_gu_body(w_ref, o_ref):
    o_ref[...] = w_ref[...].astype(jnp.bfloat16)


def _cast_dp_body(w_ref, o_ref):
    w = w_ref[0].astype(jnp.bfloat16)
    z = jnp.zeros((F, D), jnp.bfloat16)
    o_ref[0] = jnp.stack([z, w], axis=1).reshape(2 * F, D)


def _dispatch_body(x_hbm, pos_hbm, xs_hbm, src_v, pos_v, rows_v, sem):
    wid = lax.axis_index("s") * 2 + lax.axis_index("c")
    base = wid * PAIRS_PER
    for i in range(PAIRS_PER // 16):
        v = base + i * 16 + lax.broadcasted_iota(jnp.int32, (16,), 0)
        src_v[pl.ds(i * 16, 16)] = lax.rem(v, T)
    pltpu.sync_copy(pos_hbm.at[pl.ds(base, PAIRS_PER)], pos_v)
    pltpu.async_copy(x_hbm.at[src_v], rows_v, sem).wait()
    pltpu.async_copy(rows_v, xs_hbm.at[pos_v], sem).wait()


def _combine_body(y_hbm, pos_hbm, out0_hbm, out1_hbm, pos_v, rows_v, sem):
    wid = lax.axis_index("s") * 2 + lax.axis_index("c")
    t0 = wid * TOK_PER
    pltpu.sync_copy(pos_hbm.at[pl.ds(t0, TOK_PER)], pos_v)
    pltpu.async_copy(y_hbm.at[pos_v], rows_v, sem).wait()
    pltpu.sync_copy(rows_v, out0_hbm.at[pl.ds(t0, TOK_PER)])
    pltpu.sync_copy(pos_hbm.at[pl.ds(T + t0, TOK_PER)], pos_v)
    pltpu.async_copy(y_hbm.at[pos_v], rows_v, sem).wait()
    pltpu.sync_copy(rows_v, out1_hbm.at[pl.ds(t0, TOK_PER)])


def _mix_body(w0_ref, w1_ref, a_ref, b_ref, o_ref):
    o_ref[...] = w0_ref[...] * a_ref[...] + w1_ref[...] * b_ref[...]


@functools.lru_cache(maxsize=2)
def _build(interpret: bool = False):
    mesh = plsc.VectorSubcoreMesh(core_axis_name="c", subcore_axis_name="s")

    router = pl.pallas_call(
        _router_body,
        out_shape=[
            jax.ShapeDtypeStruct((P2, 1), jnp.int32),
            jax.ShapeDtypeStruct((P2, 1), jnp.float32),
            jax.ShapeDtypeStruct((NB, 1), jnp.int32),
            jax.ShapeDtypeStruct((NB, 1), jnp.int32),
            jax.ShapeDtypeStruct((NB, 1), jnp.int32),
        ],
        interpret=interpret,
    )

    dispatch = functools.partial(
        pl.kernel,
        out_type=jax.ShapeDtypeStruct((NROWS, D), jnp.float32),
        mesh=mesh,
        scratch_types=[
            pltpu.VMEM((PAIRS_PER,), jnp.int32),
            pltpu.VMEM((PAIRS_PER,), jnp.int32),
            pltpu.VMEM((PAIRS_PER, D), jnp.float32),
            pltpu.SemaphoreType.DMA,
        ],
        interpret=interpret,
    )(_dispatch_body)

    grid_spec = pltpu.PrefetchScalarGridSpec(
        num_scalar_prefetch=3,
        grid=(NB,),
        in_specs=[
            pl.BlockSpec((BLK, D), lambda b, be, xi, act: (xi[b], 0)),
            pl.BlockSpec((1, D, 2 * F), lambda b, be, xi, act: (be[b], 0, 0)),
            pl.BlockSpec((1, 1, 2 * F), lambda b, be, xi, act: (be[b], 0, 0)),
            pl.BlockSpec((1, 2 * F, D), lambda b, be, xi, act: (be[b], 0, 0)),
            pl.BlockSpec((1, 1, D), lambda b, be, xi, act: (be[b], 0, 0)),
        ],
        out_specs=pl.BlockSpec((BLK, D), lambda b, be, xi, act: (b, 0)),
    )
    expert = pl.pallas_call(
        _expert_body,
        grid_spec=grid_spec,
        out_shape=jax.ShapeDtypeStruct((NROWS, D), jnp.float32),
        interpret=interpret,
    )

    combine = functools.partial(
        pl.kernel,
        out_type=[
            jax.ShapeDtypeStruct((T, D), jnp.float32),
            jax.ShapeDtypeStruct((T, D), jnp.float32),
        ],
        mesh=mesh,
        scratch_types=[
            pltpu.VMEM((TOK_PER,), jnp.int32),
            pltpu.VMEM((TOK_PER, D), jnp.float32),
            pltpu.SemaphoreType.DMA,
        ],
        interpret=interpret,
    )(_combine_body)

    cast_gu = pl.pallas_call(
        _cast_gu_body,
        grid=(E,),
        in_specs=[pl.BlockSpec((1, D, 2 * F), lambda e: (e, 0, 0))],
        out_specs=pl.BlockSpec((1, D, 2 * F), lambda e: (e, 0, 0)),
        out_shape=jax.ShapeDtypeStruct((E, D, 2 * F), jnp.bfloat16),
        interpret=interpret,
    )

    cast_dp = pl.pallas_call(
        _cast_dp_body,
        grid=(E,),
        in_specs=[pl.BlockSpec((1, F, D), lambda e: (e, 0, 0))],
        out_specs=pl.BlockSpec((1, 2 * F, D), lambda e: (e, 0, 0)),
        out_shape=jax.ShapeDtypeStruct((E, 2 * F, D), jnp.bfloat16),
        interpret=interpret,
    )

    mix = pl.pallas_call(
        _mix_body,
        out_shape=jax.ShapeDtypeStruct((T, D), jnp.float32),
        interpret=interpret,
    )

    def run(hidden_states, router_weight, router_bias, gate_up_proj,
            gate_up_proj_bias, down_proj, down_proj_bias):
        x = hidden_states.reshape(T, D)
        bgu = gate_up_proj_bias.reshape(E, 1, 2 * F)
        wgu16 = cast_gu(gate_up_proj)
        wd2 = cast_dp(down_proj)
        bd = down_proj_bias.reshape(E, 1, D)
        br = router_bias.reshape(1, E)

        pos2, wp2, be2, xi2, act2 = router(x, router_weight, br)
        pos = pos2.reshape(P2)
        be = be2.reshape(NB)
        xi = xi2.reshape(NB)
        actb = act2.reshape(NB)

        xs = dispatch(x, pos)
        y = expert(be, xi, actb, xs, wgu16, bgu, wd2, bd)
        out0, out1 = combine(y, pos)
        out = mix(wp2[:T], wp2[T:], out0, out1)
        return out.reshape(B, S, D)

    return run


def kernel(hidden_states, router_weight, router_bias, gate_up_proj,
           gate_up_proj_bias, down_proj, down_proj_bias):
    return _build(False)(hidden_states, router_weight, router_bias,
                         gate_up_proj, gate_up_proj_bias, down_proj,
                         down_proj_bias)

# --- scband reference (transcript-rebuilt; emitter-appended) ---
"""Pipeline reference for scband-a2a-sparse-mlp-72310069396104 (READ-ONLY COPY).

The authoritative reference and input builder live on the scoring server;
editing this copy changes nothing except your own understanding.
"""

import jax, jax.numpy as jnp
import numpy as np

B, S, D = 1, 2048, 768
E, K, F = 8, 2, 768
ALPHA, LIMIT = 1.702, 7.0


def setup_inputs(seed: int = 0) -> dict:
    key = jax.random.key(seed)
    ks = jax.random.split(key, 6)
    return {
        "hidden_states": jax.random.normal(ks[0], (B, S, D), dtype=jnp.float32) * 0.02,
        "router_weight": jax.random.normal(ks[1], (D, E), dtype=jnp.float32) * 0.02,
        "router_bias": jnp.zeros((E,), dtype=jnp.float32),
        "gate_up_proj": jax.random.normal(ks[2], (E, D, 2 * F), dtype=jnp.float32) * 0.02,
        "gate_up_proj_bias": jnp.zeros((E, 2 * F), dtype=jnp.float32),
        "down_proj": jax.random.normal(ks[3], (E, F, D), dtype=jnp.float32) * 0.02,
        "down_proj_bias": jnp.zeros((E, D), dtype=jnp.float32),
    }


def reference(hidden_states, router_weight, router_bias, gate_up_proj,
              gate_up_proj_bias, down_proj, down_proj_bias):
    b, s, d = hidden_states.shape
    T = b * s
    x = hidden_states.reshape(T, d)

    # Router: linear -> top-k -> softmax over selected logits (GPT-OSS style)
    logits = x @ router_weight + router_bias
    top_vals, top_idx = jax.lax.top_k(logits, K)
    top_w = jax.nn.softmax(top_vals, axis=-1)
    # scatter top-k weights into a dense [T, E] combine matrix (= sparsity mask * weight)
    weights = jnp.zeros((T, E), dtype=x.dtype).at[jnp.arange(T)[:, None], top_idx].set(top_w)

    # Expert computation (single-device path: dispatch/combine are identity).
    # Fused gate_up projection with interleaved gate/up columns, as in forward.
    gate_up = jnp.einsum('td,edf->tef', x, gate_up_proj) + gate_up_proj_bias[None, :, :]
    gate = gate_up[..., ::2]
    up = gate_up[..., 1::2]
    # GPT-OSS activation: clamp, glu = gate*sigmoid(gate*alpha), out = (up+1)*glu
    gate = jnp.minimum(gate, LIMIT)
    up = jnp.clip(up, -LIMIT, LIMIT)
    glu = gate * jax.nn.sigmoid(gate * ALPHA)
    activated = (up + 1.0) * glu  # [T, E, F]

    expert_out = jnp.einsum('tef,efd->ted', activated, down_proj) + down_proj_bias[None, :, :]

    # Combine: weighted sum over selected experts (zeros elsewhere in weights)
    out = jnp.einsum('ted,te->td', expert_out, weights)
    return out.reshape(b, s, d)

if __name__ == "__main__":
    import jax
    _d = setup_inputs()
    print(jax.jit(kernel)(*tuple(_d.values())))

</pallas_src>

<mosaic_0001>
#map = affine_map<(d0, d1) -> (0, 0)>
#map1 = affine_map<(d0, d1) -> (0)>
module attributes {stable_mosaic.version = 14 : i64} {
  func.func @_combine_body(%arg0: i32, %arg1: i32, %arg2: memref<6144x768xf32, #tpu.memory_space<hbm>>, %arg3: memref<4096xi32, #tpu.memory_space<hbm>>, %arg4: memref<2048x768xf32, #tpu.memory_space<hbm>>, %arg5: memref<2048x768xf32, #tpu.memory_space<hbm>>, %arg6: memref<64xi32, #tpu.memory_space<vmem>>, %arg7: memref<64x768xf32, #tpu.memory_space<vmem>>, %arg8: memref<!tpu.dma_semaphore, #tpu.memory_space<semaphore_mem>>) attributes {dimension_semantics = [#tpu.dimension_semantics<core_parallel>, #tpu.dimension_semantics<subcore_parallel>], iteration_bounds = array<i64: 2, 16>, scalar_prefetch = 0 : i64, scratch_operands = 3 : i64, tpu.core_type = #tpu.core_type<sc_vector_subcore>, window_params = [{transform_indices = #map}, {transform_indices = #map1}, {transform_indices = #map}, {transform_indices = #map}]} {
    %mul3A = arith.constant 2 : i32
    %mul3A_0 = arith.muli %arg1, %mul3A : i32
    %add3A = arith.addi %mul3A_0, %arg0 : i32
    %mul3A_1 = arith.constant 64 : i32
    %mul3A_2 = arith.muli %add3A, %mul3A_1 : i32
    "tpu.region"() ({
      %run_scoped3A = tpu.sem_alloc : memref<!tpu.dma_semaphore, #tpu.memory_space<semaphore_mem>>
      %dma_start3A_15 = tpu.memref_slice %arg3[%mul3A_2] : memref<4096xi32, #tpu.memory_space<hbm>> -> memref<64xi32, #tpu.memory_space<hbm>>
      %dma_start3A_16 = tpu.memref_slice %arg3[%mul3A_2] : memref<4096xi32, #tpu.memory_space<hbm>> -> memref<64xi32, #tpu.memory_space<hbm>>
      tpu.enqueue_dma source(%dma_start3A_16 : memref<64xi32, #tpu.memory_space<hbm>>) target(%arg6 : memref<64xi32, #tpu.memory_space<vmem>>) target_semaphore(%run_scoped3A : memref<!tpu.dma_semaphore, #tpu.memory_space<semaphore_mem>>)
      %dma_wait3A_17 = tpu.memref_slice %arg3[%mul3A_2] : memref<4096xi32, #tpu.memory_space<hbm>> -> memref<64xi32, #tpu.memory_space<hbm>>
      %dma_wait3A_18 = tpu.memref_slice %arg3[%mul3A_2] : memref<4096xi32, #tpu.memory_space<hbm>> -> memref<64xi32, #tpu.memory_space<hbm>>
      tpu.wait_dma2 semaphore(%run_scoped3A : memref<!tpu.dma_semaphore, #tpu.memory_space<semaphore_mem>>) src(%dma_wait3A_18 : memref<64xi32, #tpu.memory_space<hbm>>) dst(%arg6 : memref<64xi32, #tpu.memory_space<vmem>>)
      tpu.yield
    }) : () -> ()
    %dma_start3A = arith.constant 0 : i32
    %dma_start3A_3 = arith.constant 0 : i32
    %dma_start3A_4 = tpu.memref_slice %arg2[%dma_start3A, %dma_start3A_3] : memref<6144x768xf32, #tpu.memory_space<hbm>> -> memref<6144x768xf32, #tpu.memory_space<hbm>>
    tpu.enqueue_indirect_dma source(%dma_start3A_4 : memref<6144x768xf32, #tpu.memory_space<hbm>>) target(%arg7 : memref<64x768xf32, #tpu.memory_space<vmem>>) offsets(%arg6 : memref<64xi32, #tpu.memory_space<vmem>>) semaphore(%arg8 : memref<!tpu.dma_semaphore, #tpu.memory_space<semaphore_mem>>)
    %dma_wait3A = arith.constant 0 : i32
    %dma_wait3A_5 = arith.constant 0 : i32
    %dma_wait3A_6 = tpu.memref_slice %arg2[%dma_wait3A, %dma_wait3A_5] : memref<6144x768xf32, #tpu.memory_space<hbm>> -> memref<6144x768xf32, #tpu.memory_space<hbm>>
    tpu.wait_indirect_dma semaphore(%arg8 : memref<!tpu.dma_semaphore, #tpu.memory_space<semaphore_mem>>) src(%dma_wait3A_6 : memref<6144x768xf32, #tpu.memory_space<hbm>>) dst(%arg7 : memref<64x768xf32, #tpu.memory_space<vmem>>)
    "tpu.region"() ({
      %run_scoped3A = tpu.sem_alloc : memref<!tpu.dma_semaphore, #tpu.memory_space<semaphore_mem>>
      %dma_start3A_15 = arith.constant 0 : i32
      %dma_start3A_16 = tpu.memref_slice %arg4[%mul3A_2, %dma_start3A_15] : memref<2048x768xf32, #tpu.memory_space<hbm>> -> memref<64x768xf32, #tpu.memory_space<hbm>>
      %dma_start3A_17 = arith.constant 0 : i32
      %dma_start3A_18 = tpu.memref_slice %arg4[%mul3A_2, %dma_start3A_17] : memref<2048x768xf32, #tpu.memory_space<hbm>> -> memref<64x768xf32, #tpu.memory_space<hbm>>
      tpu.enqueue_dma source(%arg7 : memref<64x768xf32, #tpu.memory_space<vmem>>) target(%dma_start3A_18 : memref<64x768xf32, #tpu.memory_space<hbm>>) target_semaphore(%run_scoped3A : memref<!tpu.dma_semaphore, #tpu.memory_space<semaphore_mem>>)
      %dma_wait3A_19 = arith.constant 0 : i32
      %dma_wait3A_20 = tpu.memref_slice %arg4[%mul3A_2, %dma_wait3A_19] : memref<2048x768xf32, #tpu.memory_space<hbm>> -> memref<64x768xf32, #tpu.memory_space<hbm>>
      %dma_wait3A_21 = arith.constant 0 : i32
      %dma_wait3A_22 = tpu.memref_slice %arg4[%mul3A_2, %dma_wait3A_21] : memref<2048x768xf32, #tpu.memory_space<hbm>> -> memref<64x768xf32, #tpu.memory_space<hbm>>
      tpu.wait_dma2 semaphore(%run_scoped3A : memref<!tpu.dma_semaphore, #tpu.memory_space<semaphore_mem>>) src(%arg7 : memref<64x768xf32, #tpu.memory_space<vmem>>) dst(%dma_wait3A_22 : memref<64x768xf32, #tpu.memory_space<hbm>>)
      tpu.yield
    }) : () -> ()
    %add3A_7 = arith.constant 2048 : i32
    %add3A_8 = arith.addi %add3A_7, %mul3A_2 : i32
    "tpu.region"() ({
      %run_scoped3A = tpu.sem_alloc : memref<!tpu.dma_semaphore, #tpu.memory_space<semaphore_mem>>
      %dma_start3A_15 = tpu.memref_slice %arg3[%add3A_8] : memref<4096xi32, #tpu.memory_space<hbm>> -> memref<64xi32, #tpu.memory_space<hbm>>
      %dma_start3A_16 = tpu.memref_slice %arg3[%add3A_8] : memref<4096xi32, #tpu.memory_space<hbm>> -> memref<64xi32, #tpu.memory_space<hbm>>
      tpu.enqueue_dma source(%dma_start3A_16 : memref<64xi32, #tpu.memory_space<hbm>>) target(%arg6 : memref<64xi32, #tpu.memory_space<vmem>>) target_semaphore(%run_scoped3A : memref<!tpu.dma_semaphore, #tpu.memory_space<semaphore_mem>>)
      %dma_wait3A_17 = tpu.memref_slice %arg3[%add3A_8] : memref<4096xi32, #tpu.memory_space<hbm>> -> memref<64xi32, #tpu.memory_space<hbm>>
      %dma_wait3A_18 = tpu.memref_slice %arg3[%add3A_8] : memref<4096xi32, #tpu.memory_space<hbm>> -> memref<64xi32, #tpu.memory_space<hbm>>
      tpu.wait_dma2 semaphore(%run_scoped3A : memref<!tpu.dma_semaphore, #tpu.memory_space<semaphore_mem>>) src(%dma_wait3A_18 : memref<64xi32, #tpu.memory_space<hbm>>) dst(%arg6 : memref<64xi32, #tpu.memory_space<vmem>>)
      tpu.yield
    }) : () -> ()
    %dma_start3A_9 = arith.constant 0 : i32
    %dma_start3A_10 = arith.constant 0 : i32
    %dma_start3A_11 = tpu.memref_slice %arg2[%dma_start3A_9, %dma_start3A_10] : memref<6144x768xf32, #tpu.memory_space<hbm>> -> memref<6144x768xf32, #tpu.memory_space<hbm>>
    tpu.enqueue_indirect_dma source(%dma_start3A_11 : memref<6144x768xf32, #tpu.memory_space<hbm>>) target(%arg7 : memref<64x768xf32, #tpu.memory_space<vmem>>) offsets(%arg6 : memref<64xi32, #tpu.memory_space<vmem>>) semaphore(%arg8 : memref<!tpu.dma_semaphore, #tpu.memory_space<semaphore_mem>>)
    %dma_wait3A_12 = arith.constant 0 : i32
    %dma_wait3A_13 = arith.constant 0 : i32
    %dma_wait3A_14 = tpu.memref_slice %arg2[%dma_wait3A_12, %dma_wait3A_13] : memref<6144x768xf32, #tpu.memory_space<hbm>> -> memref<6144x768xf32, #tpu.memory_space<hbm>>
    tpu.wait_indirect_dma semaphore(%arg8 : memref<!tpu.dma_semaphore, #tpu.memory_space<semaphore_mem>>) src(%dma_wait3A_14 : memref<6144x768xf32, #tpu.memory_space<hbm>>) dst(%arg7 : memref<64x768xf32, #tpu.memory_space<vmem>>)
    "tpu.region"() ({
      %run_scoped3A = tpu.sem_alloc : memref<!tpu.dma_semaphore, #tpu.memory_space<semaphore_mem>>
      %dma_start3A_15 = arith.constant 0 : i32
      %dma_start3A_16 = tpu.memref_slice %arg5[%mul3A_2, %dma_start3A_15] : memref<2048x768xf32, #tpu.memory_space<hbm>> -> memref<64x768xf32, #tpu.memory_space<hbm>>
      %dma_start3A_17 = arith.constant 0 : i32
      %dma_start3A_18 = tpu.memref_slice %arg5[%mul3A_2, %dma_start3A_17] : memref<2048x768xf32, #tpu.memory_space<hbm>> -> memref<64x768xf32, #tpu.memory_space<hbm>>
      tpu.enqueue_dma source(%arg7 : memref<64x768xf32, #tpu.memory_space<vmem>>) target(%dma_start3A_18 : memref<64x768xf32, #tpu.memory_space<hbm>>) target_semaphore(%run_scoped3A : memref<!tpu.dma_semaphore, #tpu.memory_space<semaphore_mem>>)
      %dma_wait3A_19 = arith.constant 0 : i32
      %dma_wait3A_20 = tpu.memref_slice %arg5[%mul3A_2, %dma_wait3A_19] : memref<2048x768xf32, #tpu.memory_space<hbm>> -> memref<64x768xf32, #tpu.memory_space<hbm>>
      %dma_wait3A_21 = arith.constant 0 : i32
      %dma_wait3A_22 = tpu.memref_slice %arg5[%mul3A_2, %dma_wait3A_21] : memref<2048x768xf32, #tpu.memory_space<hbm>> -> memref<64x768xf32, #tpu.memory_space<hbm>>
      tpu.wait_dma2 semaphore(%run_scoped3A : memref<!tpu.dma_semaphore, #tpu.memory_space<semaphore_mem>>) src(%arg7 : memref<64x768xf32, #tpu.memory_space<vmem>>) dst(%dma_wait3A_22 : memref<64x768xf32, #tpu.memory_space<hbm>>)
      tpu.yield
    }) : () -> ()
    return
  }
}

#map = affine_map<(d0, d1) -> (0, 0)>
#map1 = affine_map<(d0, d1) -> (0)>
module attributes {stable_mosaic.version = 14 : i64} {
  func.func @_dispatch_body(%arg0: i32, %arg1: i32, %arg2: memref<2048x768xf32, #tpu.memory_space<hbm>>, %arg3: memref<4096xi32, #tpu.memory_space<hbm>>, %arg4: memref<6144x768xf32, #tpu.memory_space<hbm>>, %arg5: memref<128xi32, #tpu.memory_space<vmem>>, %arg6: memref<128xi32, #tpu.memory_space<vmem>>, %arg7: memref<128x768xf32, #tpu.memory_space<vmem>>, %arg8: memref<!tpu.dma_semaphore, #tpu.memory_space<semaphore_mem>>) attributes {dimension_semantics = [#tpu.dimension_semantics<core_parallel>, #tpu.dimension_semantics<subcore_parallel>], iteration_bounds = array<i64: 2, 16>, scalar_prefetch = 0 : i64, scratch_operands = 4 : i64, tpu.core_type = #tpu.core_type<sc_vector_subcore>, window_params = [{transform_indices = #map}, {transform_indices = #map1}, {transform_indices = #map}]} {
    %mul3A = arith.constant 2 : i32
    %mul3A_0 = arith.muli %arg1, %mul3A : i32
    %add3A = arith.addi %mul3A_0, %arg0 : i32
    %mul3A_1 = arith.constant 128 : i32
    %mul3A_2 = arith.muli %add3A, %mul3A_1 : i32
    %add3A_3 = arith.constant 0 : i32
    %add3A_4 = arith.addi %mul3A_2, %add3A_3 : i32
    %iota3A = tpu.iota {dimensions = array<i32: 0>} : vector<16xi32>
    %add3A_5 = vector.broadcast %add3A_4 : i32 to vector<16xi32>
    %add3A_6 = arith.addi %add3A_5, %iota3A : vector<16xi32>
    %rem3A = arith.constant 2048 : i32
    %rem3A_7 = vector.broadcast %rem3A : i32 to vector<16xi32>
    %rem3A_8 = arith.remsi %add3A_6, %rem3A_7 : vector<16xi32>
    %swap3A = arith.constant 0 : index
    %swap3A_9 = tpu.vector_load %arg5[%swap3A] {strides = array<i32>} : memref<128xi32, #tpu.memory_space<vmem>>, vector<16xi32>,
    %swap3A_10 = vector.shape_cast %swap3A_9 : vector<16xi32> to vector<16xi32>
    %swap3A_11 = vector.shape_cast %rem3A_8 : vector<16xi32> to vector<16xi32>
    tpu.vector_store %arg5[%swap3A], %swap3A_11 {strides = array<i32>} : memref<128xi32, #tpu.memory_space<vmem>>, vector<16xi32>,
    %add3A_12 = arith.constant 16 : i32
    %add3A_13 = arith.addi %mul3A_2, %add3A_12 : i32
    %iota3A_14 = tpu.iota {dimensions = array<i32: 0>} : vector<16xi32>
    %add3A_15 = vector.broadcast %add3A_13 : i32 to vector<16xi32>
    %add3A_16 = arith.addi %add3A_15, %iota3A_14 : vector<16xi32>
    %rem3A_17 = arith.constant 2048 : i32
    %rem3A_18 = vector.broadcast %rem3A_17 : i32 to vector<16xi32>
    %rem3A_19 = arith.remsi %add3A_16, %rem3A_18 : vector<16xi32>
    %swap3A_20 = arith.constant 16 : index
    %swap3A_21 = tpu.vector_load %arg5[%swap3A_20] {strides = array<i32>} : memref<128xi32, #tpu.memory_space<vmem>>, vector<16xi32>,
    %swap3A_22 = vector.shape_cast %swap3A_21 : vector<16xi32> to vector<16xi32>
    %swap3A_23 = vector.shape_cast %rem3A_19 : vector<16xi32> to vector<16xi32>
    tpu.vector_store %arg5[%swap3A_20], %swap3A_23 {strides = array<i32>} : memref<128xi32, #tpu.memory_space<vmem>>, vector<16xi32>,
    %add3A_24 = arith.constant 32 : i32
    %add3A_25 = arith.addi %mul3A_2, %add3A_24 : i32
    %iota3A_26 = tpu.iota {dimensions = array<i32: 0>} : vector<16xi32>
    %add3A_27 = vector.broadcast %add3A_25 : i32 to vector<16xi32>
    %add3A_28 = arith.addi %add3A_27, %iota3A_26 : vector<16xi32>
    %rem3A_29 = arith.constant 2048 : i32
    %rem3A_30 = vector.broadcast %rem3A_29 : i32 to vector<16xi32>
    %rem3A_31 = arith.remsi %add3A_28, %rem3A_30 : vector<16xi32>
    %swap3A_32 = arith.constant 32 : index
    %swap3A_33 = tpu.vector_load %arg5[%swap3A_32] {strides = array<i32>} : memref<128xi32, #tpu.memory_space<vmem>>, vector<16xi32>,
    %swap3A_34 = vector.shape_cast %swap3A_33 : vector<16xi32> to vector<16xi32>
    %swap3A_35 = vector.shape_cast %rem3A_31 : vector<16xi32> to vector<16xi32>
    tpu.vector_store %arg5[%swap3A_32], %swap3A_35 {strides = array<i32>} : memref<128xi32, #tpu.memory_space<vmem>>, vector<16xi32>,
    %add3A_36 = arith.constant 48 : i32
    %add3A_37 = arith.addi %mul3A_2, %add3A_36 : i32
    %iota3A_38 = tpu.iota {dimensions = array<i32: 0>} : vector<16xi32>
    %add3A_39 = vector.broadcast %add3A_37 : i32 to vector<16xi32>
    %add3A_40 = arith.addi %add3A_39, %iota3A_38 : vector<16xi32>
    %rem3A_41 = arith.constant 2048 : i32
    %rem3A_42 = vector.broadcast %rem3A_41 : i32 to vector<16xi32>
    %rem3A_43 = arith.remsi %add3A_40, %rem3A_42 : vector<16xi32>
    %swap3A_44 = arith.constant 48 : index
    %swap3A_45 = tpu.vector_load %arg5[%swap3A_44] {strides = array<i32>} : memref<128xi32, #tpu.memory_space<vmem>>, vector<16xi32>,
    %swap3A_46 = vector.shape_cast %swap3A_45 : vector<16xi32> to vector<16xi32>
    %swap3A_47 = vector.shape_cast %rem3A_43 : vector<16xi32> to vector<16xi32>
    tpu.vector_store %arg5[%swap3A_44], %swap3A_47 {strides = array<i32>} : memref<128xi32, #tpu.memory_space<vmem>>, vector<16xi32>,
    %add3A_48 = arith.constant 64 : i32
    %add3A_49 = arith.addi %mul3A_2, %add3A_48 : i32
    %iota3A_50 = tpu.iota {dimensions = array<i32: 0>} : vector<16xi32>
    %add3A_51 = vector.broadcast %add3A_49 : i32 to vector<16xi32>
    %add3A_52 = arith.addi %add3A_51, %iota3A_50 : vector<16xi32>
    %rem3A_53 = arith.constant 2048 : i32
    %rem3A_54 = vector.broadcast %rem3A_53 : i32 to vector<16xi32>
    %rem3A_55 = arith.remsi %add3A_52, %rem3A_54 : vector<16xi32>
    %swap3A_56 = arith.constant 64 : index
    %swap3A_57 = tpu.vector_load %arg5[%swap3A_56] {strides = array<i32>} : memref<128xi32, #tpu.memory_space<vmem>>, vector<16xi32>,
    %swap3A_58 = vector.shape_cast %swap3A_57 : vector<16xi32> to vector<16xi32>
    %swap3A_59 = vector.shape_cast %rem3A_55 : vector<16xi32> to vector<16xi32>
    tpu.vector_store %arg5[%swap3A_56], %swap3A_59 {strides = array<i32>} : memref<128xi32, #tpu.memory_space<vmem>>, vector<16xi32>,
    %add3A_60 = arith.constant 80 : i32
    %add3A_61 = arith.addi %mul3A_2, %add3A_60 : i32
    %iota3A_62 = tpu.iota {dimensions = array<i32: 0>} : vector<16xi32>
    %add3A_63 = vector.broadcast %add3A_61 : i32 to vector<16xi32>
    %add3A_64 = arith.addi %add3A_63, %iota3A_62 : vector<16xi32>
    %rem3A_65 = arith.constant 2048 : i32
    %rem3A_66 = vector.broadcast %rem3A_65 : i32 to vector<16xi32>
    %rem3A_67 = arith.remsi %add3A_64, %rem3A_66 : vector<16xi32>
    %swap3A_68 = arith.constant 80 : index
    %swap3A_69 = tpu.vector_load %arg5[%swap3A_68] {strides = array<i32>} : memref<128xi32, #tpu.memory_space<vmem>>, vector<16xi32>,
    %swap3A_70 = vector.shape_cast %swap3A_69 : vector<16xi32> to vector<16xi32>
    %swap3A_71 = vector.shape_cast %rem3A_67 : vector<16xi32> to vector<16xi32>
    tpu.vector_store %arg5[%swap3A_68], %swap3A_71 {strides = array<i32>} : memref<128xi32, #tpu.memory_space<vmem>>, vector<16xi32>,
    %add3A_72 = arith.constant 96 : i32
    %add3A_73 = arith.addi %mul3A_2, %add3A_72 : i32
    %iota3A_74 = tpu.iota {dimensions = array<i32: 0>} : vector<16xi32>
    %add3A_75 = vector.broadcast %add3A_73 : i32 to vector<16xi32>
    %add3A_76 = arith.addi %add3A_75, %iota3A_74 : vector<16xi32>
    %rem3A_77 = arith.constant 2048 : i32
    %rem3A_78 = vector.broadcast %rem3A_77 : i32 to vector<16xi32>
    %rem3A_79 = arith.remsi %add3A_76, %rem3A_78 : vector<16xi32>
    %swap3A_80 = arith.constant 96 : index
    %swap3A_81 = tpu.vector_load %arg5[%swap3A_80] {strides = array<i32>} : memref<128xi32, #tpu.memory_space<vmem>>, vector<16xi32>,
    %swap3A_82 = vector.shape_cast %swap3A_81 : vector<16xi32> to vector<16xi32>
    %swap3A_83 = vector.shape_cast %rem3A_79 : vector<16xi32> to vector<16xi32>
    tpu.vector_store %arg5[%swap3A_80], %swap3A_83 {strides = array<i32>} : memref<128xi32, #tpu.memory_space<vmem>>, vector<16xi32>,
    %add3A_84 = arith.constant 112 : i32
    %add3A_85 = arith.addi %mul3A_2, %add3A_84 : i32
    %iota3A_86 = tpu.iota {dimensions = array<i32: 0>} : vector<16xi32>
    %add3A_87 = vector.broadcast %add3A_85 : i32 to vector<16xi32>
    %add3A_88 = arith.addi %add3A_87, %iota3A_86 : vector<16xi32>
    %rem3A_89 = arith.constant 2048 : i32
    %rem3A_90 = vector.broadcast %rem3A_89 : i32 to vector<16xi32>
    %rem3A_91 = arith.remsi %add3A_88, %rem3A_90 : vector<16xi32>
    %swap3A_92 = arith.constant 112 : index
    %swap3A_93 = tpu.vector_load %arg5[%swap3A_92] {strides = array<i32>} : memref<128xi32, #tpu.memory_space<vmem>>, vector<16xi32>,
    %swap3A_94 = vector.shape_cast %swap3A_93 : vector<16xi32> to vector<16xi32>
    %swap3A_95 = vector.shape_cast %rem3A_91 : vector<16xi32> to vector<16xi32>
    tpu.vector_store %arg5[%swap3A_92], %swap3A_95 {strides = array<i32>} : memref<128xi32, #tpu.memory_space<vmem>>, vector<16xi32>,
    "tpu.region"() ({
      %run_scoped3A = tpu.sem_alloc : memref<!tpu.dma_semaphore, #tpu.memory_space<semaphore_mem>>
      %dma_start3A_106 = tpu.memref_slice %arg3[%mul3A_2] : memref<4096xi32, #tpu.memory_space<hbm>> -> memref<128xi32, #tpu.memory_space<hbm>>
      %dma_start3A_107 = tpu.memref_slice %arg3[%mul3A_2] : memref<4096xi32, #tpu.memory_space<hbm>> -> memref<128xi32, #tpu.memory_space<hbm>>
      tpu.enqueue_dma source(%dma_start3A_107 : memref<128xi32, #tpu.memory_space<hbm>>) target(%arg6 : memref<128xi32, #tpu.memory_space<vmem>>) target_semaphore(%run_scoped3A : memref<!tpu.dma_semaphore, #tpu.memory_space<semaphore_mem>>)
      %dma_wait3A_108 = tpu.memref_slice %arg3[%mul3A_2] : memref<4096xi32, #tpu.memory_space<hbm>> -> memref<128xi32, #tpu.memory_space<hbm>>
      %dma_wait3A_109 = tpu.memref_slice %arg3[%mul3A_2] : memref<4096xi32, #tpu.memory_space<hbm>> -> memref<128xi32, #tpu.memory_space<hbm>>
      tpu.wait_dma2 semaphore(%run_scoped3A : memref<!tpu.dma_semaphore, #tpu.memory_space<semaphore_mem>>) src(%dma_wait3A_109 : memref<128xi32, #tpu.memory_space<hbm>>) dst(%arg6 : memref<128xi32, #tpu.memory_space<vmem>>)
      tpu.yield
    }) : () -> ()
    %dma_start3A = arith.constant 0 : i32
    %dma_start3A_96 = arith.constant 0 : i32
    %dma_start3A_97 = tpu.memref_slice %arg2[%dma_start3A, %dma_start3A_96] : memref<2048x768xf32, #tpu.memory_space<hbm>> -> memref<2048x768xf32, #tpu.memory_space<hbm>>
    tpu.enqueue_indirect_dma source(%dma_start3A_97 : memref<2048x768xf32, #tpu.memory_space<hbm>>) target(%arg7 : memref<128x768xf32, #tpu.memory_space<vmem>>) offsets(%arg5 : memref<128xi32, #tpu.memory_space<vmem>>) semaphore(%arg8 : memref<!tpu.dma_semaphore, #tpu.memory_space<semaphore_mem>>)
    %dma_wait3A = arith.constant 0 : i32
    %dma_wait3A_98 = arith.constant 0 : i32
    %dma_wait3A_99 = tpu.memref_slice %arg2[%dma_wait3A, %dma_wait3A_98] : memref<2048x768xf32, #tpu.memory_space<hbm>> -> memref<2048x768xf32, #tpu.memory_space<hbm>>
    tpu.wait_indirect_dma semaphore(%arg8 : memref<!tpu.dma_semaphore, #tpu.memory_space<semaphore_mem>>) src(%dma_wait3A_99 : memref<2048x768xf32, #tpu.memory_space<hbm>>) dst(%arg7 : memref<128x768xf32, #tpu.memory_space<vmem>>)
    %dma_start3A_100 = arith.constant 0 : i32
    %dma_start3A_101 = arith.constant 0 : i32
    %dma_start3A_102 = tpu.memref_slice %arg4[%dma_start3A_100, %dma_start3A_101] : memref<6144x768xf32, #tpu.memory_space<hbm>> -> memref<6144x768xf32, #tpu.memory_space<hbm>>
    tpu.enqueue_indirect_dma source(%arg7 : memref<128x768xf32, #tpu.memory_space<vmem>>) target(%dma_start3A_102 : memref<6144x768xf32, #tpu.memory_space<hbm>>) offsets(%arg6 : memref<128xi32, #tpu.memory_space<vmem>>) semaphore(%arg8 : memref<!tpu.dma_semaphore, #tpu.memory_space<semaphore_mem>>)
    %dma_wait3A_103 = arith.constant 0 : i32
    %dma_wait3A_104 = arith.constant 0 : i32
    %dma_wait3A_105 = tpu.memref_slice %arg4[%dma_wait3A_103, %dma_wait3A_104] : memref<6144x768xf32, #tpu.memory_space<hbm>> -> memref<6144x768xf32, #tpu.memory_space<hbm>>
    tpu.wait_indirect_dma semaphore(%arg8 : memref<!tpu.dma_semaphore, #tpu.memory_space<semaphore_mem>>) src(%arg7 : memref<128x768xf32, #tpu.memory_space<vmem>>) dst(%dma_wait3A_105 : memref<6144x768xf32, #tpu.memory_space<hbm>>)
    return
  }
}

module attributes {stable_mosaic.version = 14 : i64} {
  func.func @_router_body(%arg0: memref<2048x768xf32, #tpu.memory_space<vmem>>, %arg1: memref<768x8xf32, #tpu.memory_space<vmem>>, %arg2: memref<1x8xf32, #tpu.memory_space<vmem>>, %arg3: memref<4096x1xi32, #tpu.memory_space<vmem>>, %arg4: memref<4096x1xf32, #tpu.memory_space<vmem>>, %arg5: memref<24x1xi32, #tpu.memory_space<vmem>>, %arg6: memref<24x1xi32, #tpu.memory_space<vmem>>, %arg7: memref<24x1xi32, #tpu.memory_space<vmem>>) attributes {dimension_semantics = [], scalar_prefetch = 0 : i64, scratch_operands = 0 : i64, tpu.core_type = #tpu.core_type<tc>} {
    %get3A = arith.constant 0 : index
    %get3A_0 = arith.constant 0 : index
    %get3A_1 = vector.load %arg0[%get3A, %get3A_0] : memref<2048x768xf32, #tpu.memory_space<vmem>>, vector<2048x768xf32>
    %get3A_2 = arith.constant 0 : index
    %get3A_3 = arith.constant 0 : index
    %get3A_4 = vector.load %arg1[%get3A_2, %get3A_3] : memref<768x8xf32, #tpu.memory_space<vmem>>, vector<768x8xf32>
    %dot_general3A = arith.constant dense<0.000000e+00> : vector<2048x8xf32>
    %dot_general3A_5 = tpu.matmul %get3A_1, %get3A_4, %dot_general3A {dimension_numbers = #tpu.dot_dimension_numbers<[1], [0], [0], [1], [0, 0, 1, 1], [], []>, transpose_lhs_hint = false} : vector<2048x768xf32>, vector<768x8xf32>, vector<2048x8xf32> -> vector<2048x8xf32>
    %get3A_6 = arith.constant 0 : index
    %get3A_7 = arith.constant 0 : index
    %get3A_8 = vector.load %arg2[%get3A_6, %get3A_7] : memref<1x8xf32, #tpu.memory_space<vmem>>, vector<1x8xf32>
    %add3A = vector.broadcast %get3A_8 : vector<1x8xf32> to vector<2048x8xf32>
    %add3A_9 = arith.addf %dot_general3A_5, %add3A : vector<2048x8xf32>
    %iota3A = tpu.iota {dimensions = array<i32: 1>} : vector<2048x8xi32>
    %reduce_max3A = arith.constant dense<0xFF800000> : vector<2048xf32>
    %reduce_max3A_10 = vector.multi_reduction <maximumf>, %add3A_9, %reduce_max3A [1] : vector<2048x8xf32> to vector<2048xf32>
    %broadcast_in_dim3A = vector.shape_cast %reduce_max3A_10 : vector<2048xf32> to vector<2048x1xf32>
    %eq3A = vector.broadcast %broadcast_in_dim3A : vector<2048x1xf32> to vector<2048x8xf32>
    %eq3A_11 = arith.cmpf oeq, %add3A_9, %eq3A : vector<2048x8xf32>
    %jit3A = arith.constant 8 : i32
    %broadcast_in_dim3A_12 = vector.broadcast %jit3A : i32 to vector<2048x8xi32>
    %select_n3A = arith.select %eq3A_11, %iota3A, %broadcast_in_dim3A_12 : vector<2048x8xi1>, vector<2048x8xi32>
    %reduce_min3A = arith.constant dense<2147483647> : vector<2048xi32>
    %reduce_min3A_13 = vector.multi_reduction <minsi>, %select_n3A, %reduce_min3A [1] : vector<2048x8xi32> to vector<2048xi32>
    %broadcast_in_dim3A_14 = vector.shape_cast %reduce_min3A_13 : vector<2048xi32> to vector<2048x1xi32>
    %eq3A_15 = vector.broadcast %broadcast_in_dim3A_14 : vector<2048x1xi32> to vector<2048x8xi32>
    %eq3A_16 = arith.cmpi eq, %iota3A, %eq3A_15 : vector<2048x8xi32>
    %jit3A_17 = arith.constant 0xFF800000 : f32
    %broadcast_in_dim3A_18 = vector.broadcast %jit3A_17 : f32 to vector<2048x8xf32>
    %select_n3A_19 = arith.select %eq3A_16, %broadcast_in_dim3A_18, %add3A_9 : vector<2048x8xi1>, vector<2048x8xf32>
    %reduce_max3A_20 = arith.constant dense<0xFF800000> : vector<2048xf32>
    %reduce_max3A_21 = vector.multi_reduction <maximumf>, %select_n3A_19, %reduce_max3A_20 [1] : vector<2048x8xf32> to vector<2048xf32>
    %broadcast_in_dim3A_22 = vector.shape_cast %reduce_max3A_21 : vector<2048xf32> to vector<2048x1xf32>
    %eq3A_23 = vector.broadcast %broadcast_in_dim3A_22 : vector<2048x1xf32> to vector<2048x8xf32>
    %eq3A_24 = arith.cmpf oeq, %select_n3A_19, %eq3A_23 : vector<2048x8xf32>
    %jit3A_25 = arith.constant 8 : i32
    %broadcast_in_dim3A_26 = vector.broadcast %jit3A_25 : i32 to vector<2048x8xi32>
    %select_n3A_27 = arith.select %eq3A_24, %iota3A, %broadcast_in_dim3A_26 : vector<2048x8xi1>, vector<2048x8xi32>
    %reduce_min3A_28 = arith.constant dense<2147483647> : vector<2048xi32>
    %reduce_min3A_29 = vector.multi_reduction <minsi>, %select_n3A_27, %reduce_min3A_28 [1] : vector<2048x8xi32> to vector<2048xi32>
    %broadcast_in_dim3A_30 = vector.shape_cast %reduce_min3A_29 : vector<2048xi32> to vector<2048x1xi32>
    %eq3A_31 = vector.broadcast %broadcast_in_dim3A_30 : vector<2048x1xi32> to vector<2048x8xi32>
    %eq3A_32 = arith.cmpi eq, %iota3A, %eq3A_31 : vector<2048x8xi32>
    %sub3A = arith.subf %broadcast_in_dim3A_22, %broadcast_in_dim3A : vector<2048x1xf32>
    %exp3A = math.exp %sub3A : vector<2048x1xf32>
    %add3A_33 = arith.constant 1.000000e+00 : f32
    %add3A_34 = vector.broadcast %add3A_33 : f32 to vector<2048x1xf32>
    %add3A_35 = arith.addf %add3A_34, %exp3A : vector<2048x1xf32>
    %div3A = arith.constant 1.000000e+00 : f32
    %div3A_36 = vector.broadcast %div3A : f32 to vector<2048x1xf32>
    %div3A_37 = arith.divf %div3A_36, %add3A_35 : vector<2048x1xf32>
    %sub3A_38 = arith.constant 1.000000e+00 : f32
    %sub3A_39 = vector.broadcast %sub3A_38 : f32 to vector<2048x1xf32>
    %sub3A_40 = arith.subf %sub3A_39, %div3A_37 : vector<2048x1xf32>
    %concatenate3A = tpu.concatenate %eq3A_16, %eq3A_32 in 0 : vector<2048x8xi1>, vector<2048x8xi1> -> vector<4096x8xi1>
    %convert_element_type3A = arith.extui %concatenate3A : vector<4096x8xi1> to vector<4096x8xi32>
    %convert_element_type3A_41 = arith.sitofp %convert_element_type3A : vector<4096x8xi32> to vector<4096x8xf32>
    %concatenate3A_42 = tpu.concatenate %div3A_37, %sub3A_40 in 0 : vector<2048x1xf32>, vector<2048x1xf32> -> vector<4096x1xf32>
    %swap3A = arith.constant 0 : index
    %swap3A_43 = arith.constant 0 : index
    %swap3A_44 = vector.load %arg4[%swap3A, %swap3A_43] : memref<4096x1xf32, #tpu.memory_space<vmem>>, vector<4096x1xf32>
    tpu.vector_store %arg4[%swap3A, %swap3A_43], %concatenate3A_42 {strides = array<i32>} : memref<4096x1xf32, #tpu.memory_space<vmem>>, vector<4096x1xf32>,
    %iota3A_45 = tpu.iota {dimensions = array<i32: 0>} : vector<512x512xi32>
    %iota3A_46 = tpu.iota {dimensions = array<i32: 1>} : vector<512x512xi32>
    %le3A = arith.cmpi sle, %iota3A_46, %iota3A_45 : vector<512x512xi32>
    %convert_element_type3A_47 = arith.extui %le3A : vector<512x512xi1> to vector<512x512xi32>
    %convert_element_type3A_48 = arith.sitofp %convert_element_type3A_47 : vector<512x512xi32> to vector<512x512xf32>
    %broadcast_in_dim3A_49 = arith.constant 0.000000e+00 : f32
    %broadcast_in_dim3A_50 = vector.broadcast %broadcast_in_dim3A_49 : f32 to vector<1x8xf32>
    %slice3A = vector.extract_strided_slice %convert_element_type3A_41 {offsets = [0, 0], sizes = [512, 8], strides = [1, 1]} : vector<4096x8xf32> to vector<512x8xf32>
    %dot_general3A_51 = arith.constant dense<0.000000e+00> : vector<512x8xf32>
    %dot_general3A_52 = tpu.matmul %convert_element_type3A_48, %slice3A, %dot_general3A_51 {dimension_numbers = #tpu.dot_dimension_numbers<[1], [0], [0], [1], [0, 0, 1, 1], [], []>, transpose_lhs_hint = false} : vector<512x512xf32>, vector<512x8xf32>, vector<512x8xf32> -> vector<512x8xf32>
    %add3A_53 = vector.broadcast %broadcast_in_dim3A_50 : vector<1x8xf32> to vector<512x8xf32>
    %add3A_54 = arith.addf %dot_general3A_52, %add3A_53 : vector<512x8xf32>
    %slice3A_55 = vector.extract_strided_slice %add3A_54 {offsets = [511, 0], sizes = [1, 8], strides = [1, 1]} : vector<512x8xf32> to vector<1x8xf32>
    %slice3A_56 = vector.extract_strided_slice %convert_element_type3A_41 {offsets = [512, 0], sizes = [512, 8], strides = [1, 1]} : vector<4096x8xf32> to vector<512x8xf32>
    %dot_general3A_57 = arith.constant dense<0.000000e+00> : vector<512x8xf32>
    %dot_general3A_58 = tpu.matmul %convert_element_type3A_48, %slice3A_56, %dot_general3A_57 {dimension_numbers = #tpu.dot_dimension_numbers<[1], [0], [0], [1], [0, 0, 1, 1], [], []>, transpose_lhs_hint = false} : vector<512x512xf32>, vector<512x8xf32>, vector<512x8xf32> -> vector<512x8xf32>
    %add3A_59 = vector.broadcast %slice3A_55 : vector<1x8xf32> to vector<512x8xf32>
    %add3A_60 = arith.addf %dot_general3A_58, %add3A_59 : vector<512x8xf32>
    %slice3A_61 = vector.extract_strided_slice %add3A_60 {offsets = [511, 0], sizes = [1, 8], strides = [1, 1]} : vector<512x8xf32> to vector<1x8xf32>
    %slice3A_62 = vector.extract_strided_slice %convert_element_type3A_41 {offsets = [1024, 0], sizes = [512, 8], strides = [1, 1]} : vector<4096x8xf32> to vector<512x8xf32>
    %dot_general3A_63 = arith.constant dense<0.000000e+00> : vector<512x8xf32>
    %dot_general3A_64 = tpu.matmul %convert_element_type3A_48, %slice3A_62, %dot_general3A_63 {dimension_numbers = #tpu.dot_dimension_numbers<[1], [0], [0], [1], [0, 0, 1, 1], [], []>, transpose_lhs_hint = false} : vector<512x512xf32>, vector<512x8xf32>, vector<512x8xf32> -> vector<512x8xf32>
    %add3A_65 = vector.broadcast %slice3A_61 : vector<1x8xf32> to vector<512x8xf32>
    %add3A_66 = arith.addf %dot_general3A_64, %add3A_65 : vector<512x8xf32>
    %slice3A_67 = vector.extract_strided_slice %add3A_66 {offsets = [511, 0], sizes = [1, 8], strides = [1, 1]} : vector<512x8xf32> to vector<1x8xf32>
    %slice3A_68 = vector.extract_strided_slice %convert_element_type3A_41 {offsets = [1536, 0], sizes = [512, 8], strides = [1, 1]} : vector<4096x8xf32> to vector<512x8xf32>
    %dot_general3A_69 = arith.constant dense<0.000000e+00> : vector<512x8xf32>
    %dot_general3A_70 = tpu.matmul %convert_element_type3A_48, %slice3A_68, %dot_general3A_69 {dimension_numbers = #tpu.dot_dimension_numbers<[1], [0], [0], [1], [0, 0, 1, 1], [], []>, transpose_lhs_hint = false} : vector<512x512xf32>, vector<512x8xf32>, vector<512x8xf32> -> vector<512x8xf32>
    %add3A_71 = vector.broadcast %slice3A_67 : vector<1x8xf32> to vector<512x8xf32>
    %add3A_72 = arith.addf %dot_general3A_70, %add3A_71 : vector<512x8xf32>
    %slice3A_73 = vector.extract_strided_slice %add3A_72 {offsets = [511, 0], sizes = [1, 8], strides = [1, 1]} : vector<512x8xf32> to vector<1x8xf32>
    %slice3A_74 = vector.extract_strided_slice %convert_element_type3A_41 {offsets = [2048, 0], sizes = [512, 8], strides = [1, 1]} : vector<4096x8xf32> to vector<512x8xf32>
    %dot_general3A_75 = arith.constant dense<0.000000e+00> : vector<512x8xf32>
    %dot_general3A_76 = tpu.matmul %convert_element_type3A_48, %slice3A_74, %dot_general3A_75 {dimension_numbers = #tpu.dot_dimension_numbers<[1], [0], [0], [1], [0, 0, 1, 1], [], []>, transpose_lhs_hint = false} : vector<512x512xf32>, vector<512x8xf32>, vector<512x8xf32> -> vector<512x8xf32>
    %add3A_77 = vector.broadcast %slice3A_73 : vector<1x8xf32> to vector<512x8xf32>
    %add3A_78 = arith.addf %dot_general3A_76, %add3A_77 : vector<512x8xf32>
    %slice3A_79 = vector.extract_strided_slice %add3A_78 {offsets = [511, 0], sizes = [1, 8], strides = [1, 1]} : vector<512x8xf32> to vector<1x8xf32>
    %slice3A_80 = vector.extract_strided_slice %convert_element_type3A_41 {offsets = [2560, 0], sizes = [512, 8], strides = [1, 1]} : vector<4096x8xf32> to vector<512x8xf32>
    %dot_general3A_81 = arith.constant dense<0.000000e+00> : vector<512x8xf32>
    %dot_general3A_82 = tpu.matmul %convert_element_type3A_48, %slice3A_80, %dot_general3A_81 {dimension_numbers = #tpu.dot_dimension_numbers<[1], [0], [0], [1], [0, 0, 1, 1], [], []>, transpose_lhs_hint = false} : vector<512x512xf32>, vector<512x8xf32>, vector<512x8xf32> -> vector<512x8xf32>
    %add3A_83 = vector.broadcast %slice3A_79 : vector<1x8xf32> to vector<512x8xf32>
    %add3A_84 = arith.addf %dot_general3A_82, %add3A_83 : vector<512x8xf32>
    %slice3A_85 = vector.extract_strided_slice %add3A_84 {offsets = [511, 0], sizes = [1, 8], strides = [1, 1]} : vector<512x8xf32> to vector<1x8xf32>
    %slice3A_86 = vector.extract_strided_slice %convert_element_type3A_41 {offsets = [3072, 0], sizes = [512, 8], strides = [1, 1]} : vector<4096x8xf32> to vector<512x8xf32>
    %dot_general3A_87 = arith.constant dense<0.000000e+00> : vector<512x8xf32>
    %dot_general3A_88 = tpu.matmul %convert_element_type3A_48, %slice3A_86, %dot_general3A_87 {dimension_numbers = #tpu.dot_dimension_numbers<[1], [0], [0], [1], [0, 0, 1, 1], [], []>, transpose_lhs_hint = false} : vector<512x512xf32>, vector<512x8xf32>, vector<512x8xf32> -> vector<512x8xf32>
    %add3A_89 = vector.broadcast %slice3A_85 : vector<1x8xf32> to vector<512x8xf32>
    %add3A_90 = arith.addf %dot_general3A_88, %add3A_89 : vector<512x8xf32>
    %slice3A_91 = vector.extract_strided_slice %add3A_90 {offsets = [511, 0], sizes = [1, 8], strides = [1, 1]} : vector<512x8xf32> to vector<1x8xf32>
    %slice3A_92 = vector.extract_strided_slice %convert_element_type3A_41 {offsets = [3584, 0], sizes = [512, 8], strides = [1, 1]} : vector<4096x8xf32> to vector<512x8xf32>
    %dot_general3A_93 = arith.constant dense<0.000000e+00> : vector<512x8xf32>
    %dot_general3A_94 = tpu.matmul %convert_element_type3A_48, %slice3A_92, %dot_general3A_93 {dimension_numbers = #tpu.dot_dimension_numbers<[1], [0], [0], [1], [0, 0, 1, 1], [], []>, transpose_lhs_hint = false} : vector<512x512xf32>, vector<512x8xf32>, vector<512x8xf32> -> vector<512x8xf32>
    %add3A_95 = vector.broadcast %slice3A_91 : vector<1x8xf32> to vector<512x8xf32>
    %add3A_96 = arith.addf %dot_general3A_94, %add3A_95 : vector<512x8xf32>
    %slice3A_97 = vector.extract_strided_slice %add3A_96 {offsets = [511, 0], sizes = [1, 8], strides = [1, 1]} : vector<512x8xf32> to vector<1x8xf32>
    %concatenate3A_98 = tpu.concatenate %add3A_54, %add3A_60, %add3A_66, %add3A_72, %add3A_78, %add3A_84, %add3A_90, %add3A_96 in 0 : vector<512x8xf32>, vector<512x8xf32>, vector<512x8xf32>, vector<512x8xf32>, vector<512x8xf32>, vector<512x8xf32>, vector<512x8xf32>, vector<512x8xf32> -> vector<4096x8xf32>
    %convert_element_type3A_99 = arith.fptosi %slice3A_97 : vector<1x8xf32> to vector<1x8xi32>
    %add3A_100 = arith.constant 255 : i32
    %add3A_101 = vector.broadcast %add3A_100 : i32 to vector<1x8xi32>
    %add3A_102 = arith.addi %convert_element_type3A_99, %add3A_101 : vector<1x8xi32>
    %jit3A_103 = arith.constant 256 : i32
    %div3A_104 = vector.broadcast %jit3A_103 : i32 to vector<1x8xi32>
    %div3A_105 = arith.divsi %add3A_102, %div3A_104 : vector<1x8xi32>
    %sign3A = arith.constant 0 : i32
    %sign3A_106 = vector.broadcast %sign3A : i32 to vector<1x8xi32>
    %sign3A_107 = arith.cmpi sgt, %add3A_102, %sign3A_106 : vector<1x8xi32>
    %sign3A_108 = arith.extui %sign3A_107 : vector<1x8xi1> to vector<1x8xi32>
    %sign3A_109 = arith.constant 0 : i32
    %sign3A_110 = vector.broadcast %sign3A_109 : i32 to vector<1x8xi32>
    %sign3A_111 = arith.cmpi slt, %add3A_102, %sign3A_110 : vector<1x8xi32>
    %sign3A_112 = arith.extui %sign3A_111 : vector<1x8xi1> to vector<1x8xi32>
    %sign3A_113 = arith.subi %sign3A_108, %sign3A_112 : vector<1x8xi32>
    %sign3A_114 = arith.constant 0 : i32
    %sign3A_115 = arith.cmpi sgt, %jit3A_103, %sign3A_114 : i32
    %sign3A_116 = arith.extui %sign3A_115 : i1 to i32
    %sign3A_117 = arith.constant 0 : i32
    %sign3A_118 = arith.cmpi slt, %jit3A_103, %sign3A_117 : i32
    %sign3A_119 = arith.extui %sign3A_118 : i1 to i32
    %sign3A_120 = arith.subi %sign3A_116, %sign3A_119 : i32
    %ne3A = vector.broadcast %sign3A_120 : i32 to vector<1x8xi32>
    %ne3A_121 = arith.cmpi ne, %sign3A_113, %ne3A : vector<1x8xi32>
    %rem3A = vector.broadcast %jit3A_103 : i32 to vector<1x8xi32>
    %rem3A_122 = arith.remsi %add3A_102, %rem3A : vector<1x8xi32>
    %ne3A_123 = arith.constant 0 : i32
    %ne3A_124 = vector.broadcast %ne3A_123 : i32 to vector<1x8xi32>
    %ne3A_125 = arith.cmpi ne, %rem3A_122, %ne3A_124 : vector<1x8xi32>
    %and3A = arith.andi %ne3A_121, %ne3A_125 : vector<1x8xi1>
    %sub3A_126 = arith.constant 1 : i32
    %sub3A_127 = vector.broadcast %sub3A_126 : i32 to vector<1x8xi32>
    %sub3A_128 = arith.subi %div3A_105, %sub3A_127 : vector<1x8xi32>
    %select_n3A_129 = arith.select %and3A, %sub3A_128, %div3A_105 : vector<1x8xi1>, vector<1x8xi32>
    %mul3A = arith.constant 256 : i32
    %mul3A_130 = vector.broadcast %mul3A : i32 to vector<1x8xi32>
    %mul3A_131 = arith.muli %select_n3A_129, %mul3A_130 : vector<1x8xi32>
    %iota3A_132 = tpu.iota {dimensions = array<i32: 0>} : vector<8x8xi32>
    %iota3A_133 = tpu.iota {dimensions = array<i32: 1>} : vector<8x8xi32>
    %lt3A = arith.cmpi slt, %iota3A_132, %iota3A_133 : vector<8x8xi32>
    %convert_element_type3A_134 = arith.extui %lt3A : vector<8x8xi1> to vector<8x8xi32>
    %convert_element_type3A_135 = arith.sitofp %convert_element_type3A_134 : vector<8x8xi32> to vector<8x8xf32>
    %convert_element_type3A_136 = arith.sitofp %mul3A_131 : vector<1x8xi32> to vector<1x8xf32>
    %dot_general3A_137 = arith.constant dense<0.000000e+00> : vector<1x8xf32>
    %dot_general3A_138 = tpu.matmul %convert_element_type3A_136, %convert_element_type3A_135, %dot_general3A_137 {dimension_numbers = #tpu.dot_dimension_numbers<[1], [0], [0], [1], [0, 0, 1, 1], [], []>, transpose_lhs_hint = false} : vector<1x8xf32>, vector<8x8xf32>, vector<1x8xf32> -> vector<1x8xf32>
    %add3A_139 = vector.broadcast %dot_general3A_138 : vector<1x8xf32> to vector<4096x8xf32>
    %add3A_140 = arith.addf %add3A_139, %concatenate3A_98 : vector<4096x8xf32>
    %sub3A_141 = arith.constant 1.000000e+00 : f32
    %sub3A_142 = vector.broadcast %sub3A_141 : f32 to vector<4096x8xf32>
    %sub3A_143 = arith.subf %add3A_140, %sub3A_142 : vector<4096x8xf32>
    %mul3A_144 = arith.mulf %convert_element_type3A_41, %sub3A_143 : vector<4096x8xf32>
    %reduce_sum3A = arith.constant dense<0.000000e+00> : vector<4096xf32>
    %reduce_sum3A_145 = vector.multi_reduction <add>, %mul3A_144, %reduce_sum3A [1] : vector<4096x8xf32> to vector<4096xf32>
    %broadcast_in_dim3A_146 = vector.shape_cast %reduce_sum3A_145 : vector<4096xf32> to vector<4096x1xf32>
    %convert_element_type3A_147 = arith.fptosi %broadcast_in_dim3A_146 : vector<4096x1xf32> to vector<4096x1xi32>
    %swap3A_148 = arith.constant 0 : index
    %swap3A_149 = arith.constant 0 : index
    %swap3A_150 = vector.load %arg3[%swap3A_148, %swap3A_149] : memref<4096x1xi32, #tpu.memory_space<vmem>>, vector<4096x1xi32>
    tpu.vector_store %arg3[%swap3A_148, %swap3A_149], %convert_element_type3A_147 {strides = array<i32>} : memref<4096x1xi32, #tpu.memory_space<vmem>>, vector<4096x1xi32>,
    %reduce_sum3A_151 = vector.shape_cast %mul3A_131 : vector<1x8xi32> to vector<1x1x8xi32>
    %reduce_sum3A_152 = arith.constant dense<0> : vector<1xi32>
    %reduce_sum3A_153 = vector.multi_reduction <add>, %reduce_sum3A_151, %reduce_sum3A_152 [1, 2] : vector<1x1x8xi32> to vector<1xi32>
    %reduce_sum3A_154 = vector.shape_cast %reduce_sum3A_153 : vector<1xi32> to vector<1x1x1xi32>
    %reduce_sum3A_155 = vector.extract %reduce_sum3A_154[0, 0, 0] : i32 from vector<1x1x1xi32>
    %jit3A_156 = arith.constant 256 : i32
    %div3A_157 = arith.divsi %reduce_sum3A_155, %jit3A_156 : i32
    %sign3A_158 = arith.constant 0 : i32
    %sign3A_159 = arith.cmpi sgt, %reduce_sum3A_155, %sign3A_158 : i32
    %sign3A_160 = arith.extui %sign3A_159 : i1 to i32
    %sign3A_161 = arith.constant 0 : i32
    %sign3A_162 = arith.cmpi slt, %reduce_sum3A_155, %sign3A_161 : i32
    %sign3A_163 = arith.extui %sign3A_162 : i1 to i32
    %sign3A_164 = arith.subi %sign3A_160, %sign3A_163 : i32
    %sign3A_165 = arith.constant 0 : i32
    %sign3A_166 = arith.cmpi sgt, %jit3A_156, %sign3A_165 : i32
    %sign3A_167 = arith.extui %sign3A_166 : i1 to i32
    %sign3A_168 = arith.constant 0 : i32
    %sign3A_169 = arith.cmpi slt, %jit3A_156, %sign3A_168 : i32
    %sign3A_170 = arith.extui %sign3A_169 : i1 to i32
    %sign3A_171 = arith.subi %sign3A_167, %sign3A_170 : i32
    %ne3A_172 = arith.cmpi ne, %sign3A_164, %sign3A_171 : i32
    %rem3A_173 = arith.remsi %reduce_sum3A_155, %jit3A_156 : i32
    %ne3A_174 = arith.constant 0 : i32
    %ne3A_175 = arith.cmpi ne, %rem3A_173, %ne3A_174 : i32
    %and3A_176 = arith.andi %ne3A_172, %ne3A_175 : i1
    %sub3A_177 = arith.constant 1 : i32
    %sub3A_178 = arith.subi %div3A_157, %sub3A_177 : i32
    %select_n3A_179 = arith.select %and3A_176, %sub3A_178, %div3A_157 : i32
    %iota3A_180 = tpu.iota {dimensions = array<i32: 0>} : vector<24x1xi32>
    %mul3A_181 = arith.constant 256 : i32
    %mul3A_182 = vector.broadcast %mul3A_181 : i32 to vector<24x1xi32>
    %mul3A_183 = arith.muli %iota3A_180, %mul3A_182 : vector<24x1xi32>
    %convert_element_type3A_184 = arith.fptosi %dot_general3A_138 : vector<1x8xf32> to vector<1x8xi32>
    %broadcast_in_dim3A_185 = vector.shape_cast %convert_element_type3A_184 : vector<1x8xi32> to vector<1x8xi32>
    %broadcast_in_dim3A_186 = vector.broadcast %broadcast_in_dim3A_185 : vector<1x8xi32> to vector<24x8xi32>
    %le3A_187 = vector.broadcast %mul3A_183 : vector<24x1xi32> to vector<24x8xi32>
    %le3A_188 = arith.cmpi sle, %broadcast_in_dim3A_186, %le3A_187 : vector<24x8xi32>
    %convert_element_type3A_189 = arith.extui %le3A_188 : vector<24x8xi1> to vector<24x8xi32>
    %reduce_sum3A_190 = arith.constant dense<0> : vector<24xi32>
    %reduce_sum3A_191 = vector.multi_reduction <add>, %convert_element_type3A_189, %reduce_sum3A_190 [1] : vector<24x8xi32> to vector<24xi32>
    %broadcast_in_dim3A_192 = vector.shape_cast %reduce_sum3A_191 : vector<24xi32> to vector<24x1xi32>
    %sub3A_193 = arith.constant 1 : i32
    %sub3A_194 = vector.broadcast %sub3A_193 : i32 to vector<24x1xi32>
    %sub3A_195 = arith.subi %broadcast_in_dim3A_192, %sub3A_194 : vector<24x1xi32>
    %lt3A_196 = vector.broadcast %reduce_sum3A_155 : i32 to vector<24x1xi32>
    %lt3A_197 = arith.cmpi slt, %mul3A_183, %lt3A_196 : vector<24x1xi32>
    %convert_element_type3A_198 = arith.extui %lt3A_197 : vector<24x1xi1> to vector<24x1xi32>
    %eq3A_199 = arith.constant 1 : i32
    %eq3A_200 = vector.broadcast %eq3A_199 : i32 to vector<24x1xi32>
    %eq3A_201 = arith.cmpi eq, %convert_element_type3A_198, %eq3A_200 : vector<24x1xi32>
    %jit3A_202 = arith.constant -1 : i32
    %broadcast_in_dim3A_203 = vector.broadcast %jit3A_202 : i32 to vector<24x1xi32>
    %select_n3A_204 = arith.select %eq3A_201, %sub3A_195, %broadcast_in_dim3A_203 : vector<24x1xi1>, vector<24x1xi32>
    %reduce_max3A_205 = arith.constant dense<-2147483648> : vector<1xi32>
    %reduce_max3A_206 = vector.multi_reduction <maxsi>, %select_n3A_204, %reduce_max3A_205 [0] : vector<24x1xi32> to vector<1xi32>
    %broadcast_in_dim3A_207 = vector.shape_cast %reduce_max3A_206 : vector<1xi32> to vector<1x1xi32>
    %eq3A_208 = arith.constant 1 : i32
    %eq3A_209 = vector.broadcast %eq3A_208 : i32 to vector<24x1xi32>
    %eq3A_210 = arith.cmpi eq, %convert_element_type3A_198, %eq3A_209 : vector<24x1xi32>
    %broadcast_in_dim3A_211 = vector.shape_cast %broadcast_in_dim3A_207 : vector<1x1xi32> to vector<1x1xi32>
    %broadcast_in_dim3A_212 = vector.broadcast %broadcast_in_dim3A_211 : vector<1x1xi32> to vector<24x1xi32>
    %select_n3A_213 = arith.select %eq3A_210, %sub3A_195, %broadcast_in_dim3A_212 : vector<24x1xi1>, vector<24x1xi32>
    %swap3A_214 = arith.constant 0 : index
    %swap3A_215 = arith.constant 0 : index
    %swap3A_216 = vector.load %arg5[%swap3A_214, %swap3A_215] : memref<24x1xi32, #tpu.memory_space<vmem>>, vector<24x1xi32>
    tpu.vector_store %arg5[%swap3A_214, %swap3A_215], %select_n3A_213 {strides = array<i32>} : memref<24x1xi32, #tpu.memory_space<vmem>>, vector<24x1xi32>,
    %sub3A_217 = arith.constant 1 : i32
    %sub3A_218 = arith.subi %select_n3A_179, %sub3A_217 : i32
    %min3A = vector.broadcast %sub3A_218 : i32 to vector<24x1xi32>
    %min3A_219 = arith.minsi %iota3A_180, %min3A : vector<24x1xi32>
    %swap3A_220 = arith.constant 0 : index
    %swap3A_221 = arith.constant 0 : index
    %swap3A_222 = vector.load %arg6[%swap3A_220, %swap3A_221] : memref<24x1xi32, #tpu.memory_space<vmem>>, vector<24x1xi32>
    tpu.vector_store %arg6[%swap3A_220, %swap3A_221], %min3A_219 {strides = array<i32>} : memref<24x1xi32, #tpu.memory_space<vmem>>, vector<24x1xi32>,
    %swap3A_223 = arith.constant 0 : index
    %swap3A_224 = arith.constant 0 : index
    %swap3A_225 = vector.load %arg7[%swap3A_223, %swap3A_224] : memref<24x1xi32, #tpu.memory_space<vmem>>, vector<24x1xi32>
    tpu.vector_store %arg7[%swap3A_223, %swap3A_224], %convert_element_type3A_198 {strides = array<i32>} : memref<24x1xi32, #tpu.memory_space<vmem>>, vector<24x1xi32>,
    return
  }
}

module attributes {stable_mosaic.version = 14 : i64} {
  func.func @_cast_gu_body(%arg0: i32, %arg1: memref<1x768x1536xf32, #tpu.memory_space<vmem>>, %arg2: memref<1x768x1536xbf16, #tpu.memory_space<vmem>>) attributes {dimension_semantics = [#tpu.dimension_semantics<arbitrary>], iteration_bounds = array<i64: 8>, scalar_prefetch = 0 : i64, scratch_operands = 0 : i64, tpu.core_type = #tpu.core_type<tc>, window_params = [{transform_indices = @transform_0, window_bounds = array<i64: 1, 768, 1536>}, {transform_indices = @transform_1, window_bounds = array<i64: 1, 768, 1536>}]} {
    %get3A = arith.constant 0 : index
    %get3A_0 = arith.constant 0 : index
    %get3A_1 = arith.constant 0 : index
    %get3A_2 = vector.load %arg1[%get3A, %get3A_0, %get3A_1] : memref<1x768x1536xf32, #tpu.memory_space<vmem>>, vector<1x768x1536xf32>
    %convert_element_type3A = arith.truncf %get3A_2 : vector<1x768x1536xf32> to vector<1x768x1536xbf16>
    %swap3A = arith.constant 0 : index
    %swap3A_3 = arith.constant 0 : index
    %swap3A_4 = arith.constant 0 : index
    %swap3A_5 = vector.load %arg2[%swap3A, %swap3A_3, %swap3A_4] : memref<1x768x1536xbf16, #tpu.memory_space<vmem>>, vector<1x768x1536xbf16>
    tpu.vector_store %arg2[%swap3A, %swap3A_3, %swap3A_4], %convert_element_type3A {strides = array<i32>} : memref<1x768x1536xbf16, #tpu.memory_space<vmem>>, vector<1x768x1536xbf16>,
    return
  }
  func.func @transform_0(%arg0: i32) -> (i32, i32, i32) {
    %c0_i32 = arith.constant 0 : i32
    %c0_i32_0 = arith.constant 0 : i32
    %c0_i32_1 = arith.constant 0 : i32
    return %arg0, %c0_i32, %c0_i32_0 : i32, i32, i32
  }
  func.func @transform_1(%arg0: i32) -> (i32, i32, i32) {
    %c0_i32 = arith.constant 0 : i32
    %c0_i32_0 = arith.constant 0 : i32
    %c0_i32_1 = arith.constant 0 : i32
    return %arg0, %c0_i32, %c0_i32_0 : i32, i32, i32
  }
}

module attributes {stable_mosaic.version = 14 : i64} {
  func.func @_cast_dp_body(%arg0: i32, %arg1: memref<1x768x768xf32, #tpu.memory_space<vmem>>, %arg2: memref<1x1536x768xbf16, #tpu.memory_space<vmem>>) attributes {dimension_semantics = [#tpu.dimension_semantics<arbitrary>], iteration_bounds = array<i64: 8>, scalar_prefetch = 0 : i64, scratch_operands = 0 : i64, tpu.core_type = #tpu.core_type<tc>, window_params = [{transform_indices = @transform_0, window_bounds = array<i64: 1, 768, 768>}, {transform_indices = @transform_1, window_bounds = array<i64: 1, 1536, 768>}]} {
    %get3A = arith.constant 0 : index
    %get3A_0 = arith.constant 0 : index
    %get3A_1 = arith.constant 0 : index
    %get3A_2 = vector.load %arg1[%get3A, %get3A_0, %get3A_1] : memref<1x768x768xf32, #tpu.memory_space<vmem>>, vector<1x768x768xf32>
    %get3A_3 = vector.shape_cast %get3A_2 : vector<1x768x768xf32> to vector<768x768xf32>
    %convert_element_type3A = arith.truncf %get3A_3 : vector<768x768xf32> to vector<768x768xbf16>
    %broadcast_in_dim3A = arith.constant 0.000000e+00 : bf16
    %broadcast_in_dim3A_4 = vector.broadcast %broadcast_in_dim3A : bf16 to vector<768x768xbf16>
    %stack3A = vector.shape_cast %broadcast_in_dim3A_4 : vector<768x768xbf16> to vector<768x1x768xbf16>
    %stack3A_5 = vector.shape_cast %convert_element_type3A : vector<768x768xbf16> to vector<768x1x768xbf16>
    %stack3A_6 = tpu.concatenate %stack3A, %stack3A_5 in 1 : vector<768x1x768xbf16>, vector<768x1x768xbf16> -> vector<768x2x768xbf16>
    %reshape3A = vector.shape_cast %stack3A_6 : vector<768x2x768xbf16> to vector<1536x768xbf16>
    %swap3A = arith.constant 0 : index
    %swap3A_7 = arith.constant 0 : index
    %swap3A_8 = arith.constant 0 : index
    %swap3A_9 = vector.load %arg2[%swap3A, %swap3A_7, %swap3A_8] : memref<1x1536x768xbf16, #tpu.memory_space<vmem>>, vector<1x1536x768xbf16>
    %swap3A_10 = vector.shape_cast %swap3A_9 : vector<1x1536x768xbf16> to vector<1536x768xbf16>
    %swap3A_11 = vector.shape_cast %reshape3A : vector<1536x768xbf16> to vector<1x1536x768xbf16>
    tpu.vector_store %arg2[%swap3A, %swap3A_7, %swap3A_8], %swap3A_11 {strides = array<i32>} : memref<1x1536x768xbf16, #tpu.memory_space<vmem>>, vector<1x1536x768xbf16>,
    return
  }
  func.func @transform_0(%arg0: i32) -> (i32, i32, i32) {
    %c0_i32 = arith.constant 0 : i32
    %c0_i32_0 = arith.constant 0 : i32
    %c0_i32_1 = arith.constant 0 : i32
    return %arg0, %c0_i32, %c0_i32_0 : i32, i32, i32
  }
  func.func @transform_1(%arg0: i32) -> (i32, i32, i32) {
    %c0_i32 = arith.constant 0 : i32
    %c0_i32_0 = arith.constant 0 : i32
    %c0_i32_1 = arith.constant 0 : i32
    return %arg0, %c0_i32, %c0_i32_0 : i32, i32, i32
  }
}

module attributes {stable_mosaic.version = 14 : i64} {
  func.func @_expert_body(%arg0: i32, %arg1: memref<24xi32, #tpu.memory_space<smem>>, %arg2: memref<24xi32, #tpu.memory_space<smem>>, %arg3: memref<24xi32, #tpu.memory_space<smem>>, %arg4: memref<256x768xf32, #tpu.memory_space<vmem>>, %arg5: memref<1x768x1536xbf16, #tpu.memory_space<vmem>>, %arg6: memref<1x1x1536xf32, #tpu.memory_space<vmem>>, %arg7: memref<1x1536x768xbf16, #tpu.memory_space<vmem>>, %arg8: memref<1x1x768xf32, #tpu.memory_space<vmem>>, %arg9: memref<256x768xf32, #tpu.memory_space<vmem>>) attributes {dimension_semantics = [#tpu.dimension_semantics<arbitrary>], iteration_bounds = array<i64: 24>, scalar_prefetch = 3 : i64, scratch_operands = 0 : i64, tpu.core_type = #tpu.core_type<tc>, window_params = [{transform_indices = @transform_0, window_bounds = array<i64: 256, 768>}, {transform_indices = @transform_1, window_bounds = array<i64: 1, 768, 1536>}, {transform_indices = @transform_2, window_bounds = array<i64: 1, 1, 1536>}, {transform_indices = @transform_3, window_bounds = array<i64: 1, 1536, 768>}, {transform_indices = @transform_4, window_bounds = array<i64: 1, 1, 768>}, {transform_indices = @transform_5, window_bounds = array<i64: 256, 768>}]} {
    %get3A = arith.index_cast %arg0 : i32 to index
    %get3A_0 = memref.load %arg3[%get3A] : memref<24xi32, #tpu.memory_space<smem>>
    %eq3A = arith.constant 1 : i32
    %eq3A_1 = arith.cmpi eq, %get3A_0, %eq3A : i32
    %convert_element_type3A = arith.extui %eq3A_1 : i1 to i32
    %cond3A = arith.constant 0 : i32
    %cond3A_2 = arith.cmpi ne, %convert_element_type3A, %cond3A : i32
    scf.if %cond3A_2 {
      %get3A_3 = arith.constant 0 : index
      %get3A_4 = arith.constant 0 : index
      %get3A_5 = vector.load %arg4[%get3A_3, %get3A_4] : memref<256x768xf32, #tpu.memory_space<vmem>>, vector<256x768xf32>
      %convert_element_type3A_6 = arith.truncf %get3A_5 : vector<256x768xf32> to vector<256x768xbf16>
      %get3A_7 = arith.constant 0 : index
      %get3A_8 = arith.constant 0 : index
      %get3A_9 = arith.constant 0 : index
      %get3A_10 = vector.load %arg5[%get3A_7, %get3A_8, %get3A_9] : memref<1x768x1536xbf16, #tpu.memory_space<vmem>>, vector<1x768x1536xbf16>
      %get3A_11 = vector.shape_cast %get3A_10 : vector<1x768x1536xbf16> to vector<768x1536xbf16>
      %dot_general3A = arith.constant dense<0.000000e+00> : vector<256x1536xf32>
      %dot_general3A_12 = tpu.matmul %convert_element_type3A_6, %get3A_11, %dot_general3A {dimension_numbers = #tpu.dot_dimension_numbers<[1], [0], [0], [1], [0, 0, 1, 1], [], []>, transpose_lhs_hint = false} : vector<256x768xbf16>, vector<768x1536xbf16>, vector<256x1536xf32> -> vector<256x1536xf32>
      %get3A_13 = arith.constant 0 : index
      %get3A_14 = arith.constant 0 : index
      %get3A_15 = arith.constant 0 : index
      %get3A_16 = vector.load %arg6[%get3A_13, %get3A_14, %get3A_15] : memref<1x1x1536xf32, #tpu.memory_space<vmem>>, vector<1x1x1536xf32>
      %get3A_17 = vector.shape_cast %get3A_16 : vector<1x1x1536xf32> to vector<1x1536xf32>
      %add3A = vector.broadcast %get3A_17 : vector<1x1536xf32> to vector<256x1536xf32>
      %add3A_18 = arith.addf %dot_general3A_12, %add3A : vector<256x1536xf32>
      %roll3A = arith.constant 1 : i32
      %roll3A_19 = tpu.dynamic_rotate %add3A_18 by %roll3A dim 1 : vector<256x1536xf32>, i32 -> vector<256x1536xf32>
      %min3A = arith.constant 7.000000e+00 : f32
      %min3A_20 = vector.broadcast %min3A : f32 to vector<256x1536xf32>
      %min3A_21 = arith.minimumf %roll3A_19, %min3A_20 : vector<256x1536xf32>
      %jit3A = arith.constant -7.000000e+00 : f32
      %jit3A_22 = arith.constant 7.000000e+00 : f32
      %max3A = vector.broadcast %jit3A : f32 to vector<256x1536xf32>
      %max3A_23 = arith.maximumf %max3A, %add3A_18 : vector<256x1536xf32>
      %min3A_24 = vector.broadcast %jit3A_22 : f32 to vector<256x1536xf32>
      %min3A_25 = arith.minimumf %min3A_24, %max3A_23 : vector<256x1536xf32>
      %add3A_26 = arith.constant 1.000000e+00 : f32
      %add3A_27 = vector.broadcast %add3A_26 : f32 to vector<256x1536xf32>
      %add3A_28 = arith.addf %min3A_25, %add3A_27 : vector<256x1536xf32>
      %mul3A = arith.constant 1.702000e+00 : f32
      %mul3A_29 = vector.broadcast %mul3A : f32 to vector<256x1536xf32>
      %mul3A_30 = arith.mulf %min3A_21, %mul3A_29 : vector<256x1536xf32>
      %logistic3A = arith.negf %mul3A_30 : vector<256x1536xf32>
      %logistic3A_31 = math.exp %logistic3A : vector<256x1536xf32>
      %logistic3A_32 = arith.constant 1.000000e+00 : f32
      %logistic3A_33 = vector.broadcast %logistic3A_32 : f32 to vector<256x1536xf32>
      %logistic3A_34 = arith.addf %logistic3A_33, %logistic3A_31 : vector<256x1536xf32>
      %logistic3A_35 = arith.divf %logistic3A_33, %logistic3A_34 : vector<256x1536xf32>
      %mul3A_36 = arith.mulf %min3A_21, %logistic3A_35 : vector<256x1536xf32>
      %mul3A_37 = arith.mulf %add3A_28, %mul3A_36 : vector<256x1536xf32>
      %convert_element_type3A_38 = arith.truncf %mul3A_37 : vector<256x1536xf32> to vector<256x1536xbf16>
      %get3A_39 = arith.constant 0 : index
      %get3A_40 = arith.constant 0 : index
      %get3A_41 = arith.constant 0 : index
      %get3A_42 = vector.load %arg7[%get3A_39, %get3A_40, %get3A_41] : memref<1x1536x768xbf16, #tpu.memory_space<vmem>>, vector<1x1536x768xbf16>
      %get3A_43 = vector.shape_cast %get3A_42 : vector<1x1536x768xbf16> to vector<1536x768xbf16>
      %dot_general3A_44 = arith.constant dense<0.000000e+00> : vector<256x768xf32>
      %dot_general3A_45 = tpu.matmul %convert_element_type3A_38, %get3A_43, %dot_general3A_44 {dimension_numbers = #tpu.dot_dimension_numbers<[1], [0], [0], [1], [0, 0, 1, 1], [], []>, transpose_lhs_hint = false} : vector<256x1536xbf16>, vector<1536x768xbf16>, vector<256x768xf32> -> vector<256x768xf32>
      %get3A_46 = arith.constant 0 : index
      %get3A_47 = arith.constant 0 : index
      %get3A_48 = arith.constant 0 : index
      %get3A_49 = vector.load %arg8[%get3A_46, %get3A_47, %get3A_48] : memref<1x1x768xf32, #tpu.memory_space<vmem>>, vector<1x1x768xf32>
      %get3A_50 = vector.shape_cast %get3A_49 : vector<1x1x768xf32> to vector<1x768xf32>
      %add3A_51 = vector.broadcast %get3A_50 : vector<1x768xf32> to vector<256x768xf32>
      %add3A_52 = arith.addf %dot_general3A_45, %add3A_51 : vector<256x768xf32>
      %swap3A = arith.constant 0 : index
      %swap3A_53 = arith.constant 0 : index
      %swap3A_54 = vector.load %arg9[%swap3A, %swap3A_53] : memref<256x768xf32, #tpu.memory_space<vmem>>, vector<256x768xf32>
      tpu.vector_store %arg9[%swap3A, %swap3A_53], %add3A_52 {strides = array<i32>} : memref<256x768xf32, #tpu.memory_space<vmem>>, vector<256x768xf32>,
    } else {
    }
    return
  }
  func.func @transform_0(%arg0: i32, %arg1: memref<24xi32, #tpu.memory_space<smem>>, %arg2: memref<24xi32, #tpu.memory_space<smem>>, %arg3: memref<24xi32, #tpu.memory_space<smem>>) -> (i32, i32) {
    %get3A = arith.index_cast %arg0 : i32 to index
    %get3A_0 = memref.load %arg2[%get3A] : memref<24xi32, #tpu.memory_space<smem>>
    %c0_i32 = arith.constant 0 : i32
    %c0_i32_1 = arith.constant 0 : i32
    return %get3A_0, %c0_i32 : i32, i32
  }
  func.func @transform_1(%arg0: i32, %arg1: memref<24xi32, #tpu.memory_space<smem>>, %arg2: memref<24xi32, #tpu.memory_space<smem>>, %arg3: memref<24xi32, #tpu.memory_space<smem>>) -> (i32, i32, i32) {
    %get3A = arith.index_cast %arg0 : i32 to index
    %get3A_0 = memref.load %arg1[%get3A] : memref<24xi32, #tpu.memory_space<smem>>
    %c0_i32 = arith.constant 0 : i32
    %c0_i32_1 = arith.constant 0 : i32
    %c0_i32_2 = arith.constant 0 : i32
    return %get3A_0, %c0_i32, %c0_i32_1 : i32, i32, i32
  }
  func.func @transform_2(%arg0: i32, %arg1: memref<24xi32, #tpu.memory_space<smem>>, %arg2: memref<24xi32, #tpu.memory_space<smem>>, %arg3: memref<24xi32, #tpu.memory_space<smem>>) -> (i32, i32, i32) {
    %get3A = arith.index_cast %arg0 : i32 to index
    %get3A_0 = memref.load %arg1[%get3A] : memref<24xi32, #tpu.memory_space<smem>>
    %c0_i32 = arith.constant 0 : i32
    %c0_i32_1 = arith.constant 0 : i32
    %c0_i32_2 = arith.constant 0 : i32
    return %get3A_0, %c0_i32, %c0_i32_1 : i32, i32, i32
  }
  func.func @transform_3(%arg0: i32, %arg1: memref<24xi32, #tpu.memory_space<smem>>, %arg2: memref<24xi32, #tpu.memory_space<smem>>, %arg3: memref<24xi32, #tpu.memory_space<smem>>) -> (i32, i32, i32) {
    %get3A = arith.index_cast %arg0 : i32 to index
    %get3A_0 = memref.load %arg1[%get3A] : memref<24xi32, #tpu.memory_space<smem>>
    %c0_i32 = arith.constant 0 : i32
    %c0_i32_1 = arith.constant 0 : i32
    %c0_i32_2 = arith.constant 0 : i32
    return %get3A_0, %c0_i32, %c0_i32_1 : i32, i32, i32
  }
  func.func @transform_4(%arg0: i32, %arg1: memref<24xi32, #tpu.memory_space<smem>>, %arg2: memref<24xi32, #tpu.memory_space<smem>>, %arg3: memref<24xi32, #tpu.memory_space<smem>>) -> (i32, i32, i32) {
    %get3A = arith.index_cast %arg0 : i32 to index
    %get3A_0 = memref.load %arg1[%get3A] : memref<24xi32, #tpu.memory_space<smem>>
    %c0_i32 = arith.constant 0 : i32
    %c0_i32_1 = arith.constant 0 : i32
    %c0_i32_2 = arith.constant 0 : i32
    return %get3A_0, %c0_i32, %c0_i32_1 : i32, i32, i32
  }
  func.func @transform_5(%arg0: i32, %arg1: memref<24xi32, #tpu.memory_space<smem>>, %arg2: memref<24xi32, #tpu.memory_space<smem>>, %arg3: memref<24xi32, #tpu.memory_space<smem>>) -> (i32, i32) {
    %c0_i32 = arith.constant 0 : i32
    %c0_i32_0 = arith.constant 0 : i32
    return %arg0, %c0_i32 : i32, i32
  }
}

module attributes {stable_mosaic.version = 14 : i64} {
  func.func @_mix_body(%arg0: memref<2048x1xf32, #tpu.memory_space<vmem>>, %arg1: memref<2048x1xf32, #tpu.memory_space<vmem>>, %arg2: memref<2048x768xf32, #tpu.memory_space<vmem>>, %arg3: memref<2048x768xf32, #tpu.memory_space<vmem>>, %arg4: memref<2048x768xf32, #tpu.memory_space<vmem>>) attributes {dimension_semantics = [], scalar_prefetch = 0 : i64, scratch_operands = 0 : i64, tpu.core_type = #tpu.core_type<tc>} {
    %get3A = arith.constant 0 : index
    %get3A_0 = arith.constant 0 : index
    %get3A_1 = vector.load %arg0[%get3A, %get3A_0] : memref<2048x1xf32, #tpu.memory_space<vmem>>, vector<2048x1xf32>
    %get3A_2 = arith.constant 0 : index
    %get3A_3 = arith.constant 0 : index
    %get3A_4 = vector.load %arg2[%get3A_2, %get3A_3] : memref<2048x768xf32, #tpu.memory_space<vmem>>, vector<2048x768xf32>
    %mul3A = vector.broadcast %get3A_1 : vector<2048x1xf32> to vector<2048x768xf32>
    %mul3A_5 = arith.mulf %mul3A, %get3A_4 : vector<2048x768xf32>
    %get3A_6 = arith.constant 0 : index
    %get3A_7 = arith.constant 0 : index
    %get3A_8 = vector.load %arg1[%get3A_6, %get3A_7] : memref<2048x1xf32, #tpu.memory_space<vmem>>, vector<2048x1xf32>
    %get3A_9 = arith.constant 0 : index
    %get3A_10 = arith.constant 0 : index
    %get3A_11 = vector.load %arg3[%get3A_9, %get3A_10] : memref<2048x768xf32, #tpu.memory_space<vmem>>, vector<2048x768xf32>
    %mul3A_12 = vector.broadcast %get3A_8 : vector<2048x1xf32> to vector<2048x768xf32>
    %mul3A_13 = arith.mulf %mul3A_12, %get3A_11 : vector<2048x768xf32>
    %add3A = arith.addf %mul3A_5, %mul3A_13 : vector<2048x768xf32>
    %swap3A = arith.constant 0 : index
    %swap3A_14 = arith.constant 0 : index
    %swap3A_15 = vector.load %arg4[%swap3A, %swap3A_14] : memref<2048x768xf32, #tpu.memory_space<vmem>>, vector<2048x768xf32>
    tpu.vector_store %arg4[%swap3A, %swap3A_14], %add3A {strides = array<i32>} : memref<2048x768xf32, #tpu.memory_space<vmem>>, vector<2048x768xf32>,
    return
  }
}

</mosaic_0001>

<sc_bundles>
// kernel: kernel.12.cloned.1.call-start
scs
__scs_entry_jumppad:
0x0: {  	(pc) =	sbr.rel $0x88, $3  }
0x1: {  	(tag) =	ssettag $0x0;
	lr =	simm.s32 $0x1  }
0x2: {  	[smem:$0x3F9A] =	sst lr;
	_ =	strace $0xD0000000  }
0x3: {  	_ = 	snop  }
0x4: {  	_ = 	snop  }
0x5: {  	_ = 	snop  }
0x6: {  	_ = 	snop  }
0x7: {  	_ = 	snop  }
__scs_overlays_trampoline_lowered:
0x8: {  	[smem:$0x3FA9] =	sst s0  }
0x9: {  	[smem:$0x3FAA] =	sst s1  }
0xa: {  	[smem:$0x3FAB] =	sst s2  }
0xb: {  	[smem:$0x3FAC] =	sst s3  }
0xc: {  	[smem:$0x3FAD] =	sst s4  }
0xd: {  	[smem:$0x3FAE] =	sst s5  }
0xe: {  	[smem:$0x3FAF] =	sst s6  }
0xf: {  	[smem:$0x3FB0] =	sst s7  }
0x10: {  	[smem:$0x3FB1] =	sst s8  }
0x11: {  	[smem:$0x3FB2] =	sst s9;
	s0 =	simm.s32 @!p0 $0x0  }
0x12: {  	s1 =	sld [smem:$0x3F98];
	s0 =	simm.s32 @p0 $0x1  }
0x13: {  	[smem:$0x3FB3] =	sst s0;
	s0 =	simm.s32 @!p1 $0x0  }
0x14: {  	s2 =	sld [smem:$0x3F97];
	s0 =	simm.s32 @p1 $0x1  }
0x15: {  	[smem:$0x3FB4] =	sst s0;
	s0 =	simm.s32 @!p2 $0x0  }
0x16: {  	s3 =	sld [smem:$0x3FDB];
	s0 =	simm.s32 @p2 $0x1  }
0x17: {  	s4 =	simm.s32 $0x1BF5;
	[smem:$0x3FB6] =	sst s0  }
0x18: {  	s0 =	sld [smem:$0x3F99];
	_ =	swait.ge [sflag:s4], $0x0  }
0x19: {  	s7 =	sld [smem:$0x3F9A]  }
0x1a: {  	s8 =	sadd.s32 $0xFFFFE003, lr  }
0x1b: {  	s9 =	sadd.s32 $0xFFFFFEF7, lr;
	s5 =	simm.s32 $0xFFFFFFFF;
	p2 =	slt.u32 s8, $0xFFFFF086  }
0x1c: {  	p1 =	slt.u32 s9, $0xF7A;
	s5 =	simm.s32 @!p2 $0x0  }
0x1d: {  	s5 =	simm.s32 @p1 $0x1;
	p0 =	seq.s32 s7, s2  }
0x1e: {  	s7 =	smul.u32 @!p0 $0xF7A, s2;
	p2 =	seq.s32 @!p0 s5, $0x0  }
0x1f: {  	s9 =	smul.u32 $0xF7A, s1;
	s8 =	simm.s32 @!p0 $0x1BF5;
	p2 =	por !p2, p0  }
0x20: {  	[sflag:s8] =	ssyncset.s32 @!p0 $0xFFFFF086;
	s6 =	sadd.s32 @!p0 s3, s7;
	s7 =	simm.s32 @!p0 $0x108  }
0x21: {  	s3 =	sadd.s32 s3, s9;
	s6 =	sadd.s32 @!p0 $0x88, s6;
	s7 =	simm.s32 @p2 $0x1082  }
0x22: {  	[simem:s7], [sflag:s8] =	dma.local @!p0 [hbm:s6], $0xF7A  }
0x23: {  	s9 =	sor.u32 $0xD0000000, s2;
	s6 =	simm.s32 $0x108;
	_ =	swait.ge @!p0 [sflag:s8], $0x0  }
0x24: {  	s3 =	sadd.s32 $0x88, s3;
	s6 =	simm.s32 @!p1 $0x1082;
	[sflag:s4] =	ssyncset.s32 $0xFFFFF086  }
0x25: {  	[simem:s6], [sflag:s4] =	dma.local [hbm:s3], $0xF7A  }
0x26: {  	[smem:$0x3F9A] =	sst s1;
	(tag) =	ssettag s2;
	_ =	strace s9  }
0x27: {  	s1 =	sld [smem:$0x3FAA]  }
0x28: {  	s2 =	sld [smem:$0x3FAB]  }
0x29: {  	s4 =	sld [smem:$0x3FAD]  }
0x2a: {  	p0 =	seq.s32 s5, $0x0;
	s5 =	sld [smem:$0x3FAE]  }
0x2b: {  	s6 =	sld [smem:$0x3FAF]  }
0x2c: {  	s7 =	sld [smem:$0x3FB0]  }
0x2d: {  	s3 =	simm.s32 $0x108;
	s8 =	sld [smem:$0x3FB1]  }
0x2e: {  	s3 =	simm.s32 @!p0 $0x1082;
	s9 =	sld [smem:$0x3FB2]  }
0x2f: {  	lr =	sadd.s32 s0, s3;
	s0 =	sld [smem:$0x3FA9]  }
0x30: {  	s3 =	sld [smem:$0x3FAC]  }
0x31: {  	[smem:$0x3FB5] =	sst s10  }
0x32: {  	s10 =	sld [smem:$0x3FB3];
	_ =	sdelay $0x3  }
0x33: {  	p0 =	seq.s32 s10, $0x1;
	s10 =	sld [smem:$0x3FB5];
	_ =	sdelay $0x3  }
0x34: {  	[smem:$0x3FB5] =	sst s10  }
0x35: {  	s10 =	sld [smem:$0x3FB4];
	_ =	sdelay $0x3  }
0x36: {  	p1 =	seq.s32 s10, $0x1;
	s10 =	sld [smem:$0x3FB5];
	_ =	sdelay $0x3  }
0x37: {  	[smem:$0x3FB5] =	sst s10  }
0x38: {  	s10 =	sld [smem:$0x3FB6]  }
0x39: {  	_ = 	snop;
	(pc) =	sbr.ind lr, $3  }
0x3a: {  	_ = 	snop  }
0x3b: {  	_ = 	snop  }
0x3c: {  	p2 =	seq.s32 s10, $0x1;
	s10 =	sld [smem:$0x3FB5]  }
0x3d: {  	_ =	shalt  }
0x3e: {  	_ =	shalt  }
0x3f: {  	_ =	shalt  }
0x40: {  	_ =	shalt  }
0x41: {  	_ =	shalt  }
0x42: {  	_ =	shalt  }
0x43: {  	_ =	shalt  }
0x44: {  	_ =	shalt  }
0x45: {  	_ =	shalt  }
0x46: {  	_ =	shalt  }
0x47: {  	_ =	shalt  }
0x48: {  	_ =	shalt  }
0x49: {  	_ =	shalt  }
0x4a: {  	_ =	shalt  }
0x4b: {  	_ =	shalt  }
0x4c: {  	_ =	shalt  }
0x4d: {  	_ =	shalt  }
0x4e: {  	_ =	shalt  }
0x4f: {  	_ =	shalt  }
0x50: {  	_ =	shalt  }
0x51: {  	_ =	shalt  }
0x52: {  	_ =	shalt  }
0x53: {  	_ =	shalt  }
0x54: {  	_ =	shalt  }
0x55: {  	_ =	shalt  }
0x56: {  	_ =	shalt  }
0x57: {  	_ =	shalt  }
0x58: {  	_ =	shalt  }
0x59: {  	_ =	shalt  }
0x5a: {  	_ =	shalt  }
0x5b: {  	_ =	shalt  }
0x5c: {  	_ =	shalt  }
0x5d: {  	_ =	shalt  }
0x5e: {  	_ =	shalt  }
0x5f: {  	_ =	shalt  }
0x60: {  	_ =	shalt  }
0x61: {  	_ =	shalt  }
0x62: {  	_ =	shalt  }
0x63: {  	_ =	shalt  }
0x64: {  	_ =	shalt  }
0x65: {  	_ =	shalt  }
0x66: {  	_ =	shalt  }
0x67: {  	_ =	shalt  }
0x68: {  	_ =	shalt  }
0x69: {  	_ =	shalt  }
0x6a: {  	_ =	shalt  }
0x6b: {  	_ =	shalt  }
0x6c: {  	_ =	shalt  }
0x6d: {  	_ =	shalt  }
0x6e: {  	_ =	shalt  }
0x6f: {  	_ =	shalt  }
0x70: {  	_ =	shalt  }
0x71: {  	_ =	shalt  }
0x72: {  	_ =	shalt  }
0x73: {  	_ =	shalt  }
0x74: {  	_ =	shalt  }
0x75: {  	_ =	shalt  }
0x76: {  	_ =	shalt  }
0x77: {  	_ =	shalt  }
0x78: {  	_ =	shalt  }
0x79: {  	_ =	shalt  }
0x7a: {  	_ =	shalt  }
0x7b: {  	_ =	shalt  }
0x7c: {  	_ =	shalt  }
0x7d: {  	_ =	shalt  }
0x7e: {  	_ =	shalt  }
0x7f: {  	_ =	shalt  }
0x80: {  	_ =	shalt  }
0x81: {  	_ =	shalt  }
0x82: {  	_ =	shalt  }
0x83: {  	_ =	shalt  }
0x84: {  	_ =	shalt  }
0x85: {  	_ =	shalt  }
0x86: {  	_ =	shalt  }
0x87: {  	_ =	shalt  }
.Lfunc_end0:
.L_simem_size_0:
called_computation.1_lowered:
.L_overlay_start_0:
0x88: {  	s2 =	sld [smem:$0x3FD9]  }
0x89: {  	s3 =	sld [smem:$0x3FFE];
	_ =	sdelay $0x1  }
0x8a: {  	s1 =	srdreg.scid  }
0x8b: {  	s0 =	sand.u32 $0x1, s1  }
0x8c: {  	s17 =	sshll.u32 s0, $0xA;
	s2 =	sadd.s32 s3, s2  }
0x8d: {  	s2 =	sadd.s32 s2, s17  }
0x8e: {  	[smem:$0x3FC1] =	sst s2  }
0x8f: {  	_ = 	snop  }
0x90: {  	s2 =	sld [smem:$0x3FD0];
	(tm) =	ssettm $0x1  }
0x91: {  	s18 =	sld [smem:$0x3FFB];
	_ =	sdelay $0x3  }
0x92: {  	_ =	strace s18  }
0x93: {  	s3 =	sld [smem:$0x3FFC];
	_ =	sdelay $0x3  }
0x94: {  	_ =	strace s3  }
0x95: {  	s3 =	sld [smem:$0x3FFD];
	_ =	sdelay $0x3  }
0x96: {  	_ =	strace s3  }
0x97: {  	_ =	strace $0x8FFFFFFF  }
0x98: {  	s19 =	sld [smem:$0x3FDB];
	_ =	sdelay $0x1  }
0x99: {  	s4 =	simm.s32 $_scs_section_size  }
0x9a: {  	s5 =	simm.s32 $_size__tile_overlayer_lowered;
	s6 =	simm.s32 $_tile_overlayer_lowered  }
0x9b: {  	s22 =	simm.s32 $0x1BFF;
	s21 =	sshll.u32 s6, $0x1;
	s3 =	sadd.s32 s4, s19  }
0x9c: {  	s7 =	simm.s32 $0x0;
	s20 =	sshll.u32 s5, $0x1;
	s5 =	sadd.s32 s21, s3  }
0x9d: {  	[timem:s7], [sflag:s22] =	dma.local [hbm:s5], s20  }
0x9e: {  	_ =	swait.ge [sflag:s22], s20  }
0x9f: {  	s4 =	ssub.s32 $0x0, s20;
	[sflag:s22] =	ssyncset.done $0x0  }
0xa0: {  	[sflag:s22] =	ssyncadd.s32 s4;
	_ =	sdelay $0x1  }
0xa1: {  	s23 =	simm.s32 $0x1B8B  }
0xa2: {  	_ =	swait.ge [sflag:s23], $0x1  }
0xa3: {  	[sflag:s23] =	ssyncset.done $0x0  }
0xa4: {  	s25 =	simm.s32 $0x1B8E;
	s24 =	sld [smem:$0x3FFE];
	[sflag:s23] =	ssyncadd.s32 $0xFFFFFFFF  }
0xa5: {  	s26 =	simm.s32 $execute0_lowered;
	[smem:$0x3FD2] =	sst s25  }
0xa6: {  	s5 =	sshll.u32 s26, $0x1;
	_ =	strace $0x80000049;
	[dreg:$0x1] =	wrdreg $0xFFFFFFFF  }
0xa7: {  	s28 =	simm.s32 $_size_execute0_lowered;
	s3 =	sadd.s32 s3, s5;
	[dreg:$0x0] =	wrdreg $0x0  }
0xa8: {  	s5 =	sshll.u32 s28, $0x1;
	[dreg:$0x2] =	wrdreg s3  }
0xa9: {  	[dreg:$0x3] =	wrdreg s5  }
0xaa: {  	[dreg:$0x4] =	wrdreg $0xC0  }
0xab: {  	_ =	task [dreg:s7], $0x5FFFF  }
0xac: {  	[dreg:$0x1] =	wrdreg $0xFFFFFFFF  }
0xad: {  	[dreg:$0x0] =	wrdreg $0x60  }
0xae: {  	[dreg:$0x2] =	wrdreg s24  }
0xaf: {  	[dreg:$0x3] =	wrdreg s2  }
0xb0: {  	[dreg:$0x4] =	wrdreg $0x9  }
0xb1: {  	_ =	task.clear_ibuf [dreg:s7], $0x5FFFF;
	_ =	strace $0x90000049  }
0xb2: {  	s29 =	simm.s32 $0x9;
	_ =	strace $0x8000004B  }
0xb3: {  	_ =	swait.ge [sflag:s29], $0x1  }
0xb4: {  	[sflag:s29] =	ssyncadd.s32 $0xFFFFFFFF  }
0xb5: {  	_ =	strace $0x9000004B  }
0xb6: {  	_ =	sfence  }
0xb7: {  	s30 =	sld [smem:$0x0];
	_ =	sdelay $0x2  }
0xb8: {  	s31 =	sshll.u32 s1, $0xD;
	s1 =	sshrl.u32 s1, $0x2  }
0xb9: {  	s3 =	sand.u32 $0x4000, s31;
	s1 =	sadd.s32 s1, s30  }
0xba: {  	s0 =	sor.u32 s3, s0;
	s1 =	sshll.u32 s1, $0x11  }
0xbb: {  	s0 =	sor.u32 s1, s0  }
0xbc: {  	s0 =	sadd.s32 $0x8F2B, s0  }
0xbd: {  	[sflag:s0] =	ssyncadd.remote.s32 $0x1  }
0xbe: {  	_ =	sfence.sel $0xFFFF  }
0xbf: {  	[dreg:$0x0] =	wrdreg $0xFFFFFFFF;
	(pc) =	sbr.abs _section_cstart, $3  }
0xc0: {  	[dreg:$0x1] =	wrdreg $0xFFFFFFFF  }
0xc1: {  	_ =	task.clear_ibuf [dreg:s7], $0x2FFFF;
	_ =	strace $0x9FFFFFFF  }
0xc2: {  	(tm) =	ssettm $0x7FFFFFFF  }
0xc3: {  	_ =	shalt  }
tec
execute0_lowered:
.L_overlay_start_1:
0x0: {  	(tag) =	ssettag $0x1  }
0x1: {  	s0 =	srdreg.scid;
	s1 =	rddreg [dreg:$0x0]  }
0x2: {  	s2 =	stileid.u32;
	s4 =	rddreg [dreg:$0x1];
	s10 =	simm.s32 $0x880  }
0x3: {  	s11 =	simm.s32 $0x1080;
	s12 =	simm.s32 $0x1880;
	s13 =	simm.s32 $0x2080  }
0x4: {  	s14 =	simm.s32 $0x2880;
	s15 =	simm.s32 $0x3080;
	s16 =	simm.s32 $0x3880  }
0x5: {  	s17 =	simm.s32 $0x4080;
	s18 =	simm.s32 $0x4880;
	s19 =	simm.s32 $0x5080  }
0x6: {  	s20 =	simm.s32 $0x5880;
	s21 =	simm.s32 $0x6080;
	s22 =	simm.s32 $0x6880  }
0x7: {  	s23 =	simm.s32 $0x7080;
	s28 =	simm.s32 $0x9080;
	s29 =	simm.s32 $0x9880  }
0x8: {  	s30 =	simm.s32 $0xA080;
	s31 =	simm.s32 $0xA880;
	s0 =	sand.u32 $0x1, s0  }
0x9: {  	s3 =	sshll.u32 s2, $0x4;
	s2 =	simm.s32 $0x0;
	s5 =	sshll.u32 s0, $0x3  }
0xa: {  	[smem:$0x7FF] =	sst s2;
	s0 =	ssub.s32 $0x2, s0;
	s3 =	sor.u32 s5, s3  }
0xb: {  	_ =	strace $0x8000004A;
	s24 =	sshrl.u32 s0, $0x1;
	s5 =	smul.u32 $0x300, s3  }
0xc: {  	s6 =	sadd.s32 s3, s1;
	s3 =	sadd.s32 $0xE00, s1;
	s0 =	ssub.s32 s0, s24  }
0xd: {  	s24 =	simm.s32 $0x7880;
	s8 =	sadd.s32 $0xC00, s6;
	s25 =	sadd.s32 $0xD00, s6  }
0xe: {  	s6 =	smax.u32 s0, $0x1;
	s0 =	simm.s32 $0x1;
	[dreg:$0x3] =	wrdreg s8  }
0xf: {  	s7 =	sadd.s32 s5, s1;
	s4 =	sadd.s32 s4, s5;
	[dreg:$0x5] =	wrdreg s25  }
0x10: {  	v2 =	vlaneseq.u32;
	s5 =	sadd.s32 $0x1000, s1;
	s25 =	simm.s32 $0x8080;
	[dreg:$0x4] =	wrdreg s4  }
0x11: {  	vm0 =	vmmov $0xffff;
	v1 =	vshrl.u32 v2, $0x3;
	s26 =	sadd.s32 $0x90E00, s7;
	s4 =	sadd.s32 $0xF00, s1;
	s7 =	simm.s32 $0x2  }
0x12: {  	v0 =	vand.u32 $0x7, v2;
	v2 =	vor.u32 $0x8, v2;
	v1 =	vmul.u32 $0x8, v1;
	s1 =	simm.s32 $0x80;
	[dreg:$0x6] =	wrdreg s26;
	s26 =	simm.s32 $0x8880  }
.LBB2_1:
0x13: {  	s9 =	rddreg [dreg:$0x3]  }
0x14: {  	[tilespmem:s2], [sflag:$0x2] =	stream.linear.gather [hbm4b:s9+s2], $0x40, $0x38;
	[tilespmem:$0xC080] =	vst v63  }
0x15: {  	_ =	swait.ge [sflag:s7], $0x40  }
0x16: {  	[sflag:s7] =	ssyncset.done $0x0  }
0x17: {  	[sflag:s7] =	ssyncadd.s32 $0xFFFFFFC0  }
0x18: {  	v3 =	vld [tilespmem:$0x0];
	_ =	sdelay $0x4  }
0x19: {  	v4 =	vshrl.u32 v3, $0x3  }
0x1a: {  	v4 =	vmul.u32 $0x30, v4  }
0x1b: {  	v3 =	vand.u32 $0x7, v3  }
0x1c: {  	v3 =	vor.u32 v3, v4  }
0x1d: {  	v4 =	vperm.xlane v3, v0;
	_ =	sdelay $0x1  }
0x1e: {  	v4 =	vadd.s32 v1, v4;
	_ =	sdelay $0x3  }
0x1f: {  	v3 =	vperm.xlane v3, v2  }
0x20: {  	[tilespmem:s1], [sflag:$0x1] =	stream.indirect_vreg.gather [hbm4b:s3+s2], $0x80, v4, vm0, $0xb8;
	[tilespmem:$0xC080] =	vst v63  }
0x21: {  	v3 =	vadd.s32 v1, v3  }
0x22: {  	[tilespmem:s10], [sflag:$0x1] =	stream.indirect_vreg.gather [hbm4b:s4+s2], $0x80, v4, vm0, $0xb8;
	[tilespmem:$0xC080] =	vst v63  }
0x23: {  	_ = 	snop  }
0x24: {  	[tilespmem:s11], [sflag:$0x1] =	stream.indirect_vreg.gather [hbm4b:s5+s2], $0x80, v4, vm0, $0xb8;
	[tilespmem:$0xC080] =	vst v63  }
0x25: {  	_ = 	snop  }
0x26: {  	[tilespmem:s12], [sflag:$0x1] =	stream.indirect_vreg.gather [hbm4b:s3+s2], $0x80, v3, vm0, $0xb8;
	[tilespmem:$0xC080] =	vst v63  }
0x27: {  	_ = 	snop  }
0x28: {  	[tilespmem:s13], [sflag:$0x1] =	stream.indirect_vreg.gather [hbm4b:s4+s2], $0x80, v3, vm0, $0xb8;
	[tilespmem:$0xC080] =	vst v63  }
0x29: {  	_ = 	snop  }
0x2a: {  	[tilespmem:s14], [sflag:$0x1] =	stream.indirect_vreg.gather [hbm4b:s5+s2], $0x80, v3, vm0, $0xb8;
	[tilespmem:$0xC080] =	vst v63  }
0x2b: {  	v3 =	vld [tilespmem:$0x10];
	_ =	sdelay $0x4  }
0x2c: {  	v57 =	vshrl.u32 v3, $0x3  }
0x2d: {  	v4 =	vmul.u32 $0x30, v57  }
0x2e: {  	v3 =	vand.u32 $0x7, v3  }
0x2f: {  	v3 =	vor.u32 v3, v4  }
0x30: {  	v4 =	vperm.xlane v3, v0;
	_ =	sdelay $0x1  }
0x31: {  	v4 =	vadd.s32 v1, v4;
	_ =	sdelay $0x3  }
0x32: {  	v3 =	vperm.xlane v3, v2  }
0x33: {  	[tilespmem:s15], [sflag:$0x1] =	stream.indirect_vreg.gather [hbm4b:s3+s2], $0x80, v4, vm0, $0xb8;
	[tilespmem:$0xC080] =	vst v63  }
0x34: {  	v3 =	vadd.s32 v1, v3  }
0x35: {  	[tilespmem:s16], [sflag:$0x1] =	stream.indirect_vreg.gather [hbm4b:s4+s2], $0x80, v4, vm0, $0xb8;
	[tilespmem:$0xC080] =	vst v63  }
0x36: {  	_ = 	snop  }
0x37: {  	[tilespmem:s17], [sflag:$0x1] =	stream.indirect_vreg.gather [hbm4b:s5+s2], $0x80, v4, vm0, $0xb8;
	[tilespmem:$0xC080] =	vst v63  }
0x38: {  	_ = 	snop  }
0x39: {  	[tilespmem:s18], [sflag:$0x1] =	stream.indirect_vreg.gather [hbm4b:s3+s2], $0x80, v3, vm0, $0xb8;
	[tilespmem:$0xC080] =	vst v63  }
0x3a: {  	_ = 	snop  }
0x3b: {  	[tilespmem:s19], [sflag:$0x1] =	stream.indirect_vreg.gather [hbm4b:s4+s2], $0x80, v3, vm0, $0xb8;
	[tilespmem:$0xC080] =	vst v63  }
0x3c: {  	_ = 	snop  }
0x3d: {  	[tilespmem:s20], [sflag:$0x1] =	stream.indirect_vreg.gather [hbm4b:s5+s2], $0x80, v3, vm0, $0xb8;
	[tilespmem:$0xC080] =	vst v63  }
0x3e: {  	v3 =	vld [tilespmem:$0x20];
	_ =	sdelay $0x4  }
0x3f: {  	v58 =	vshrl.u32 v3, $0x3  }
0x40: {  	v4 =	vmul.u32 $0x30, v58  }
0x41: {  	v3 =	vand.u32 $0x7, v3  }
0x42: {  	v3 =	vor.u32 v3, v4  }
0x43: {  	v4 =	vperm.xlane v3, v0;
	_ =	sdelay $0x1  }
0x44: {  	v4 =	vadd.s32 v1, v4;
	_ =	sdelay $0x3  }
0x45: {  	v3 =	vperm.xlane v3, v2  }
0x46: {  	[tilespmem:s21], [sflag:$0x1] =	stream.indirect_vreg.gather [hbm4b:s3+s2], $0x80, v4, vm0, $0xb8;
	[tilespmem:$0xC080] =	vst v63  }
0x47: {  	v3 =	vadd.s32 v1, v3  }
0x48: {  	[tilespmem:s22], [sflag:$0x1] =	stream.indirect_vreg.gather [hbm4b:s4+s2], $0x80, v4, vm0, $0xb8;
	[tilespmem:$0xC080] =	vst v63  }
0x49: {  	_ = 	snop  }
0x4a: {  	[tilespmem:s23], [sflag:$0x1] =	stream.indirect_vreg.gather [hbm4b:s5+s2], $0x80, v4, vm0, $0xb8;
	[tilespmem:$0xC080] =	vst v63  }
0x4b: {  	_ = 	snop  }
0x4c: {  	[tilespmem:s24], [sflag:$0x1] =	stream.indirect_vreg.gather [hbm4b:s3+s2], $0x80, v3, vm0, $0xb8;
	[tilespmem:$0xC080] =	vst v63  }
0x4d: {  	_ = 	snop  }
0x4e: {  	[tilespmem:s25], [sflag:$0x1] =	stream.indirect_vreg.gather [hbm4b:s4+s2], $0x80, v3, vm0, $0xb8;
	[tilespmem:$0xC080] =	vst v63  }
0x4f: {  	_ = 	snop  }
0x50: {  	[tilespmem:s26], [sflag:$0x1] =	stream.indirect_vreg.gather [hbm4b:s5+s2], $0x80, v3, vm0, $0xb8;
	[tilespmem:$0xC080] =	vst v63  }
0x51: {  	v3 =	vld [tilespmem:$0x30];
	_ =	sdelay $0x4  }
0x52: {  	v59 =	vshrl.u32 v3, $0x3  }
0x53: {  	v4 =	vmul.u32 $0x30, v59  }
0x54: {  	v3 =	vand.u32 $0x7, v3  }
0x55: {  	v3 =	vor.u32 v3, v4  }
0x56: {  	v4 =	vperm.xlane v3, v0;
	_ =	sdelay $0x1  }
0x57: {  	v4 =	vadd.s32 v1, v4;
	_ =	sdelay $0x3  }
0x58: {  	v3 =	vperm.xlane v3, v2  }
0x59: {  	[tilespmem:s28], [sflag:$0x1] =	stream.indirect_vreg.gather [hbm4b:s3+s2], $0x80, v4, vm0, $0xb8;
	[tilespmem:$0xC080] =	vst v63  }
0x5a: {  	v3 =	vadd.s32 v1, v3  }
0x5b: {  	[tilespmem:s29], [sflag:$0x1] =	stream.indirect_vreg.gather [hbm4b:s4+s2], $0x80, v4, vm0, $0xb8;
	[tilespmem:$0xC080] =	vst v63  }
0x5c: {  	_ = 	snop  }
0x5d: {  	[tilespmem:s30], [sflag:$0x1] =	stream.indirect_vreg.gather [hbm4b:s5+s2], $0x80, v4, vm0, $0xb8;
	[tilespmem:$0xC080] =	vst v63  }
0x5e: {  	_ = 	snop  }
0x5f: {  	[tilespmem:s31], [sflag:$0x1] =	stream.indirect_vreg.gather [hbm4b:s3+s2], $0x80, v3, vm0, $0xb8;
	[tilespmem:$0xC080] =	vst v63  }
0x60: {  	s8 =	simm.s32 $0xB080  }
0x61: {  	[tilespmem:s8], [sflag:$0x1] =	stream.indirect_vreg.gather [hbm4b:s4+s2], $0x80, v3, vm0, $0xb8;
	[tilespmem:$0xC080] =	vst v63  }
0x62: {  	s8 =	simm.s32 $0xB880  }
0x63: {  	[tilespmem:s8], [sflag:$0x1] =	stream.indirect_vreg.gather [hbm4b:s5+s2], $0x80, v3, vm0, $0xb8;
	[tilespmem:$0xC080] =	vst v63  }
0x64: {  	_ =	swait.ge [sflag:s0], $0xC000  }
0x65: {  	[sflag:s0] =	ssyncset.done $0x0  }
0x66: {  	s9 =	rddreg [dreg:$0x4];
	[sflag:s0] =	ssyncadd.s32 $0xFFFF4000  }
0x67: {  	[hbm4b:s9+s2] =	stream.linear.scatter [tilespmem:s1], [sflag:$0x2], $0xC000, $0x38;
	[tilespmem:$0xC080] =	vst v63  }
0x68: {  	_ =	swait.ge [sflag:s7], $0xC000  }
0x69: {  	[sflag:s7] =	ssyncset.done $0x0  }
0x6a: {  	s9 =	rddreg [dreg:$0x5];
	[sflag:s7] =	ssyncadd.s32 $0xFFFF4000  }
0x6b: {  	[tilespmem:s2], [sflag:$0x2] =	stream.linear.gather [hbm4b:s9+s2], $0x40, $0x38;
	[tilespmem:$0xC080] =	vst v63  }
0x6c: {  	_ =	swait.ge [sflag:s7], $0x40  }
0x6d: {  	[sflag:s7] =	ssyncset.done $0x0  }
0x6e: {  	[sflag:s7] =	ssyncadd.s32 $0xFFFFFFC0  }
0x6f: {  	v3 =	vld [tilespmem:$0x0];
	_ =	sdelay $0x4  }
0x70: {  	v60 =	vshrl.u32 v3, $0x3  }
0x71: {  	v4 =	vmul.u32 $0x30, v60  }
0x72: {  	v3 =	vand.u32 $0x7, v3  }
0x73: {  	v3 =	vor.u32 v3, v4  }
0x74: {  	v4 =	vperm.xlane v3, v0;
	_ =	sdelay $0x1  }
0x75: {  	v4 =	vadd.s32 v1, v4;
	_ =	sdelay $0x3  }
0x76: {  	v3 =	vperm.xlane v3, v2  }
0x77: {  	[tilespmem:s1], [sflag:$0x1] =	stream.indirect_vreg.gather [hbm4b:s3+s2], $0x80, v4, vm0, $0xb8;
	[tilespmem:$0xC080] =	vst v63  }
0x78: {  	v3 =	vadd.s32 v1, v3  }
0x79: {  	[tilespmem:s10], [sflag:$0x1] =	stream.indirect_vreg.gather [hbm4b:s4+s2], $0x80, v4, vm0, $0xb8;
	[tilespmem:$0xC080] =	vst v63  }
0x7a: {  	_ = 	snop  }
0x7b: {  	[tilespmem:s11], [sflag:$0x1] =	stream.indirect_vreg.gather [hbm4b:s5+s2], $0x80, v4, vm0, $0xb8;
	[tilespmem:$0xC080] =	vst v63  }
0x7c: {  	_ = 	snop  }
0x7d: {  	[tilespmem:s12], [sflag:$0x1] =	stream.indirect_vreg.gather [hbm4b:s3+s2], $0x80, v3, vm0, $0xb8;
	[tilespmem:$0xC080] =	vst v63  }
0x7e: {  	_ = 	snop  }
0x7f: {  	[tilespmem:s13], [sflag:$0x1] =	stream.indirect_vreg.gather [hbm4b:s4+s2], $0x80, v3, vm0, $0xb8;
	[tilespmem:$0xC080] =	vst v63  }
0x80: {  	_ = 	snop  }
0x81: {  	[tilespmem:s14], [sflag:$0x1] =	stream.indirect_vreg.gather [hbm4b:s5+s2], $0x80, v3, vm0, $0xb8;
	[tilespmem:$0xC080] =	vst v63  }
0x82: {  	v3 =	vld [tilespmem:$0x10];
	_ =	sdelay $0x4  }
0x83: {  	v61 =	vshrl.u32 v3, $0x3  }
0x84: {  	v4 =	vmul.u32 $0x30, v61  }
0x85: {  	v3 =	vand.u32 $0x7, v3  }
0x86: {  	v3 =	vor.u32 v3, v4  }
0x87: {  	v4 =	vperm.xlane v3, v0;
	_ =	sdelay $0x1  }
0x88: {  	v4 =	vadd.s32 v1, v4;
	_ =	sdelay $0x3  }
0x89: {  	v3 =	vperm.xlane v3, v2  }
0x8a: {  	[tilespmem:s15], [sflag:$0x1] =	stream.indirect_vreg.gather [hbm4b:s3+s2], $0x80, v4, vm0, $0xb8;
	[tilespmem:$0xC080] =	vst v63  }
0x8b: {  	v3 =	vadd.s32 v1, v3  }
0x8c: {  	[tilespmem:s16], [sflag:$0x1] =	stream.indirect_vreg.gather [hbm4b:s4+s2], $0x80, v4, vm0, $0xb8;
	[tilespmem:$0xC080] =	vst v63  }
0x8d: {  	_ = 	snop  }
0x8e: {  	[tilespmem:s17], [sflag:$0x1] =	stream.indirect_vreg.gather [hbm4b:s5+s2], $0x80, v4, vm0, $0xb8;
	[tilespmem:$0xC080] =	vst v63  }
0x8f: {  	_ = 	snop  }
0x90: {  	[tilespmem:s18], [sflag:$0x1] =	stream.indirect_vreg.gather [hbm4b:s3+s2], $0x80, v3, vm0, $0xb8;
	[tilespmem:$0xC080] =	vst v63  }
0x91: {  	_ = 	snop  }
0x92: {  	[tilespmem:s19], [sflag:$0x1] =	stream.indirect_vreg.gather [hbm4b:s4+s2], $0x80, v3, vm0, $0xb8;
	[tilespmem:$0xC080] =	vst v63  }
0x93: {  	_ = 	snop  }
0x94: {  	[tilespmem:s20], [sflag:$0x1] =	stream.indirect_vreg.gather [hbm4b:s5+s2], $0x80, v3, vm0, $0xb8;
	[tilespmem:$0xC080] =	vst v63  }
0x95: {  	v3 =	vld [tilespmem:$0x20];
	_ =	sdelay $0x4  }
0x96: {  	v62 =	vshrl.u32 v3, $0x3  }
0x97: {  	v4 =	vmul.u32 $0x30, v62  }
0x98: {  	v3 =	vand.u32 $0x7, v3  }
0x99: {  	v3 =	vor.u32 v3, v4  }
0x9a: {  	v4 =	vperm.xlane v3, v0;
	_ =	sdelay $0x1  }
0x9b: {  	v4 =	vadd.s32 v1, v4;
	_ =	sdelay $0x3  }
0x9c: {  	v3 =	vperm.xlane v3, v2  }
0x9d: {  	[tilespmem:s21], [sflag:$0x1] =	stream.indirect_vreg.gather [hbm4b:s3+s2], $0x80, v4, vm0, $0xb8;
	[tilespmem:$0xC080] =	vst v63  }
0x9e: {  	v3 =	vadd.s32 v1, v3  }
0x9f: {  	[tilespmem:s22], [sflag:$0x1] =	stream.indirect_vreg.gather [hbm4b:s4+s2], $0x80, v4, vm0, $0xb8;
	[tilespmem:$0xC080] =	vst v63  }
0xa0: {  	_ = 	snop  }
0xa1: {  	[tilespmem:s23], [sflag:$0x1] =	stream.indirect_vreg.gather [hbm4b:s5+s2], $0x80, v4, vm0, $0xb8;
	[tilespmem:$0xC080] =	vst v63  }
0xa2: {  	_ = 	snop  }
0xa3: {  	[tilespmem:s24], [sflag:$0x1] =	stream.indirect_vreg.gather [hbm4b:s3+s2], $0x80, v3, vm0, $0xb8;
	[tilespmem:$0xC080] =	vst v63  }
0xa4: {  	_ = 	snop  }
0xa5: {  	[tilespmem:s25], [sflag:$0x1] =	stream.indirect_vreg.gather [hbm4b:s4+s2], $0x80, v3, vm0, $0xb8;
	[tilespmem:$0xC080] =	vst v63  }
0xa6: {  	_ = 	snop  }
0xa7: {  	[tilespmem:s26], [sflag:$0x1] =	stream.indirect_vreg.gather [hbm4b:s5+s2], $0x80, v3, vm0, $0xb8;
	[tilespmem:$0xC080] =	vst v63  }
0xa8: {  	v3 =	vld [tilespmem:$0x30];
	_ =	sdelay $0x4  }
0xa9: {  	v63 =	vshrl.u32 v3, $0x3  }
0xaa: {  	v4 =	vmul.u32 $0x30, v63  }
0xab: {  	v3 =	vand.u32 $0x7, v3  }
0xac: {  	v3 =	vor.u32 v3, v4  }
0xad: {  	v4 =	vperm.xlane v3, v0;
	_ =	sdelay $0x1  }
0xae: {  	v4 =	vadd.s32 v1, v4;
	_ =	sdelay $0x3  }
0xaf: {  	v3 =	vperm.xlane v3, v2  }
0xb0: {  	[tilespmem:s28], [sflag:$0x1] =	stream.indirect_vreg.gather [hbm4b:s3+s2], $0x80, v4, vm0, $0xb8;
	[tilespmem:$0xC080] =	vst v63  }
0xb1: {  	v3 =	vadd.s32 v1, v3  }
0xb2: {  	[tilespmem:s29], [sflag:$0x1] =	stream.indirect_vreg.gather [hbm4b:s4+s2], $0x80, v4, vm0, $0xb8;
	[tilespmem:$0xC080] =	vst v63  }
0xb3: {  	_ = 	snop  }
0xb4: {  	[tilespmem:s30], [sflag:$0x1] =	stream.indirect_vreg.gather [hbm4b:s5+s2], $0x80, v4, vm0, $0xb8;
	[tilespmem:$0xC080] =	vst v63  }
0xb5: {  	_ = 	snop  }
0xb6: {  	[tilespmem:s31], [sflag:$0x1] =	stream.indirect_vreg.gather [hbm4b:s3+s2], $0x80, v3, vm0, $0xb8;
	[tilespmem:$0xC080] =	vst v63  }
0xb7: {  	s9 =	simm.s32 $0xB080  }
0xb8: {  	[tilespmem:s9], [sflag:$0x1] =	stream.indirect_vreg.gather [hbm4b:s4+s2], $0x80, v3, vm0, $0xb8;
	[tilespmem:$0xC080] =	vst v63  }
0xb9: {  	_ = 	snop  }
0xba: {  	[tilespmem:s8], [sflag:$0x1] =	stream.indirect_vreg.gather [hbm4b:s5+s2], $0x80, v3, vm0, $0xb8;
	[tilespmem:$0xC080] =	vst v63  }
0xbb: {  	_ =	swait.ge [sflag:s0], $0xC000  }
0xbc: {  	p0 =	sne.s32 s6, $0x1;
	[sflag:s0] =	ssyncset.done $0x0  }
.Ltmp0:
0xbd: {  	s8 =	rddreg [dreg:$0x6];
	[sflag:s0] =	ssyncadd.s32 $0xFFFF4000;
	(pc) =	sbr.rel @p0 .LBB2_1-.Ltmp0, $4  }
0xbe: {  	[hbm4b:s8+s2] =	stream.linear.scatter [tilespmem:s1], [sflag:$0x2], $0xC000, $0x38;
	[tilespmem:$0xC080] =	vst v63  }
0xbf: {  	_ =	swait.ge [sflag:s7], $0xC000  }
0xc0: {  	[sflag:s7] =	ssyncset.done $0x0  }
0xc1: {  	s6 =	sadd.s32 $0xFFFFFFFF, s6;
	[sflag:s7] =	ssyncadd.s32 $0xFFFF4000  }
0xc2: {  	_ =	sfence.sel $0x180000  }
0xc3: {  	[bflag:$0x0] =	sbarrier.arrive $0xFFFF  }
0xc4: {  	_ =	strace $0x9000004A  }
0xc5: {  	s0 =	stileid.u32;
	[bflag:$0x2] =	sbarrier.arrive $0xFFFF  }
0xc6: {  	p0 =	sne.s32 s0, $0x0;
	s0 =	rddreg [dreg:$0x2]  }
0xc7: {  	s0 =	sadd.s32 @!p0 $0x100000, s0  }
0xc8: {  	[sflag:s0] =	ssyncadd.tile.s32 @!p0 $0x1;
	_ =	shalt  }
.Lfunc_end2:
_tile_overlayer_lowered:
.L_overlay_start_2:
0xc9: {  	(tag) =	ssettag $0x2  }
0xca: {  	s0 =	rddreg [dreg:$0x0];
	s2 =	stileid.u32  }
0xcb: {  	s1 =	rddreg [dreg:$0x1];
	p0 =	sne.s32 s2, $0x0  }
0xcc: {  	s3 =	rddreg [dreg:$0x2];
	[bflag:$0x3] =	sbarrier.arrive $0xFFFF;
	s2 =	simm.s32 @!p0 $0x1C02  }
0xcd: {  	[timem:s3], [sflag:s2] =	dma.local @!p0 [hbm:s0], s1  }
0xce: {  	s0 =	simm.s32 @!p0 $0x2  }
0xcf: {  	_ =	swait.ge @!p0 [sflag:s0], s1  }
0xd0: {  	s1 =	ssub.s32 @!p0 $0x0, s1;
	[sflag:s0] =	ssyncset.done @!p0 $0x0  }
0xd1: {  	[sflag:s0] =	ssyncadd.s32 @!p0 s1  }
0xd2: {  	[bflag:$0x3] =	sbarrier.arrive $0xFFFF  }
0xd3: {  	_ =	shalt  }

// kernel: kernel.9.cloned.1.call-start
scs
__scs_entry_jumppad:
0x0: {  	(pc) =	sbr.rel $0x88, $3  }
0x1: {  	(tag) =	ssettag $0x0;
	lr =	simm.s32 $0x1  }
0x2: {  	[smem:$0x3F9A] =	sst lr;
	_ =	strace $0xD0000000  }
0x3: {  	_ = 	snop  }
0x4: {  	_ = 	snop  }
0x5: {  	_ = 	snop  }
0x6: {  	_ = 	snop  }
0x7: {  	_ = 	snop  }
__scs_overlays_trampoline_lowered:
0x8: {  	[smem:$0x3FA9] =	sst s0  }
0x9: {  	[smem:$0x3FAA] =	sst s1  }
0xa: {  	[smem:$0x3FAB] =	sst s2  }
0xb: {  	[smem:$0x3FAC] =	sst s3  }
0xc: {  	[smem:$0x3FAD] =	sst s4  }
0xd: {  	[smem:$0x3FAE] =	sst s5  }
0xe: {  	[smem:$0x3FAF] =	sst s6  }
0xf: {  	[smem:$0x3FB0] =	sst s7  }
0x10: {  	[smem:$0x3FB1] =	sst s8  }
0x11: {  	[smem:$0x3FB2] =	sst s9;
	s0 =	simm.s32 @!p0 $0x0  }
0x12: {  	s1 =	sld [smem:$0x3F98];
	s0 =	simm.s32 @p0 $0x1  }
0x13: {  	[smem:$0x3FB3] =	sst s0;
	s0 =	simm.s32 @!p1 $0x0  }
0x14: {  	s2 =	sld [smem:$0x3F97];
	s0 =	simm.s32 @p1 $0x1  }
0x15: {  	[smem:$0x3FB4] =	sst s0;
	s0 =	simm.s32 @!p2 $0x0  }
0x16: {  	s3 =	sld [smem:$0x3FDB];
	s0 =	simm.s32 @p2 $0x1  }
0x17: {  	s4 =	simm.s32 $0x1BF5;
	[smem:$0x3FB6] =	sst s0  }
0x18: {  	s0 =	sld [smem:$0x3F99];
	_ =	swait.ge [sflag:s4], $0x0  }
0x19: {  	s7 =	sld [smem:$0x3F9A]  }
0x1a: {  	s8 =	sadd.s32 $0xFFFFE003, lr  }
0x1b: {  	s9 =	sadd.s32 $0xFFFFFEF7, lr;
	s5 =	simm.s32 $0xFFFFFFFF;
	p2 =	slt.u32 s8, $0xFFFFF086  }
0x1c: {  	p1 =	slt.u32 s9, $0xF7A;
	s5 =	simm.s32 @!p2 $0x0  }
0x1d: {  	s5 =	simm.s32 @p1 $0x1;
	p0 =	seq.s32 s7, s2  }
0x1e: {  	s7 =	smul.u32 @!p0 $0xF7A, s2;
	p2 =	seq.s32 @!p0 s5, $0x0  }
0x1f: {  	s9 =	smul.u32 $0xF7A, s1;
	s8 =	simm.s32 @!p0 $0x1BF5;
	p2 =	por !p2, p0  }
0x20: {  	[sflag:s8] =	ssyncset.s32 @!p0 $0xFFFFF086;
	s6 =	sadd.s32 @!p0 s3, s7;
	s7 =	simm.s32 @!p0 $0x108  }
0x21: {  	s3 =	sadd.s32 s3, s9;
	s6 =	sadd.s32 @!p0 $0x88, s6;
	s7 =	simm.s32 @p2 $0x1082  }
0x22: {  	[simem:s7], [sflag:s8] =	dma.local @!p0 [hbm:s6], $0xF7A  }
0x23: {  	s9 =	sor.u32 $0xD0000000, s2;
	s6 =	simm.s32 $0x108;
	_ =	swait.ge @!p0 [sflag:s8], $0x0  }
0x24: {  	s3 =	sadd.s32 $0x88, s3;
	s6 =	simm.s32 @!p1 $0x1082;
	[sflag:s4] =	ssyncset.s32 $0xFFFFF086  }
0x25: {  	[simem:s6], [sflag:s4] =	dma.local [hbm:s3], $0xF7A  }
0x26: {  	[smem:$0x3F9A] =	sst s1;
	(tag) =	ssettag s2;
	_ =	strace s9  }
0x27: {  	s1 =	sld [smem:$0x3FAA]  }
0x28: {  	s2 =	sld [smem:$0x3FAB]  }
0x29: {  	s4 =	sld [smem:$0x3FAD]  }
0x2a: {  	p0 =	seq.s32 s5, $0x0;
	s5 =	sld [smem:$0x3FAE]  }
0x2b: {  	s6 =	sld [smem:$0x3FAF]  }
0x2c: {  	s7 =	sld [smem:$0x3FB0]  }
0x2d: {  	s3 =	simm.s32 $0x108;
	s8 =	sld [smem:$0x3FB1]  }
0x2e: {  	s3 =	simm.s32 @!p0 $0x1082;
	s9 =	sld [smem:$0x3FB2]  }
0x2f: {  	lr =	sadd.s32 s0, s3;
	s0 =	sld [smem:$0x3FA9]  }
0x30: {  	s3 =	sld [smem:$0x3FAC]  }
0x31: {  	[smem:$0x3FB5] =	sst s10  }
0x32: {  	s10 =	sld [smem:$0x3FB3];
	_ =	sdelay $0x3  }
0x33: {  	p0 =	seq.s32 s10, $0x1;
	s10 =	sld [smem:$0x3FB5];
	_ =	sdelay $0x3  }
0x34: {  	[smem:$0x3FB5] =	sst s10  }
0x35: {  	s10 =	sld [smem:$0x3FB4];
	_ =	sdelay $0x3  }
0x36: {  	p1 =	seq.s32 s10, $0x1;
	s10 =	sld [smem:$0x3FB5];
	_ =	sdelay $0x3  }
0x37: {  	[smem:$0x3FB5] =	sst s10  }
0x38: {  	s10 =	sld [smem:$0x3FB6]  }
0x39: {  	_ = 	snop;
	(pc) =	sbr.ind lr, $3  }
0x3a: {  	_ = 	snop  }
0x3b: {  	_ = 	snop  }
0x3c: {  	p2 =	seq.s32 s10, $0x1;
	s10 =	sld [smem:$0x3FB5]  }
0x3d: {  	_ =	shalt  }
0x3e: {  	_ =	shalt  }
0x3f: {  	_ =	shalt  }
0x40: {  	_ =	shalt  }
0x41: {  	_ =	shalt  }
0x42: {  	_ =	shalt  }
0x43: {  	_ =	shalt  }
0x44: {  	_ =	shalt  }
0x45: {  	_ =	shalt  }
0x46: {  	_ =	shalt  }
0x47: {  	_ =	shalt  }
0x48: {  	_ =	shalt  }
0x49: {  	_ =	shalt  }
0x4a: {  	_ =	shalt  }
0x4b: {  	_ =	shalt  }
0x4c: {  	_ =	shalt  }
0x4d: {  	_ =	shalt  }
0x4e: {  	_ =	shalt  }
0x4f: {  	_ =	shalt  }
0x50: {  	_ =	shalt  }
0x51: {  	_ =	shalt  }
0x52: {  	_ =	shalt  }
0x53: {  	_ =	shalt  }
0x54: {  	_ =	shalt  }
0x55: {  	_ =	shalt  }
0x56: {  	_ =	shalt  }
0x57: {  	_ =	shalt  }
0x58: {  	_ =	shalt  }
0x59: {  	_ =	shalt  }
0x5a: {  	_ =	shalt  }
0x5b: {  	_ =	shalt  }
0x5c: {  	_ =	shalt  }
0x5d: {  	_ =	shalt  }
0x5e: {  	_ =	shalt  }
0x5f: {  	_ =	shalt  }
0x60: {  	_ =	shalt  }
0x61: {  	_ =	shalt  }
0x62: {  	_ =	shalt  }
0x63: {  	_ =	shalt  }
0x64: {  	_ =	shalt  }
0x65: {  	_ =	shalt  }
0x66: {  	_ =	shalt  }
0x67: {  	_ =	shalt  }
0x68: {  	_ =	shalt  }
0x69: {  	_ =	shalt  }
0x6a: {  	_ =	shalt  }
0x6b: {  	_ =	shalt  }
0x6c: {  	_ =	shalt  }
0x6d: {  	_ =	shalt  }
0x6e: {  	_ =	shalt  }
0x6f: {  	_ =	shalt  }
0x70: {  	_ =	shalt  }
0x71: {  	_ =	shalt  }
0x72: {  	_ =	shalt  }
0x73: {  	_ =	shalt  }
0x74: {  	_ =	shalt  }
0x75: {  	_ =	shalt  }
0x76: {  	_ =	shalt  }
0x77: {  	_ =	shalt  }
0x78: {  	_ =	shalt  }
0x79: {  	_ =	shalt  }
0x7a: {  	_ =	shalt  }
0x7b: {  	_ =	shalt  }
0x7c: {  	_ =	shalt  }
0x7d: {  	_ =	shalt  }
0x7e: {  	_ =	shalt  }
0x7f: {  	_ =	shalt  }
0x80: {  	_ =	shalt  }
0x81: {  	_ =	shalt  }
0x82: {  	_ =	shalt  }
0x83: {  	_ =	shalt  }
0x84: {  	_ =	shalt  }
0x85: {  	_ =	shalt  }
0x86: {  	_ =	shalt  }
0x87: {  	_ =	shalt  }
.Lfunc_end0:
.L_simem_size_0:
called_computation_lowered:
.L_overlay_start_0:
0x88: {  	s2 =	sld [smem:$0x3FD9]  }
0x89: {  	s3 =	sld [smem:$0x3FFE];
	_ =	sdelay $0x1  }
0x8a: {  	s1 =	srdreg.scid  }
0x8b: {  	s0 =	sand.u32 $0x1, s1  }
0x8c: {  	s17 =	sshll.u32 s0, $0xA;
	s2 =	sadd.s32 s3, s2  }
0x8d: {  	s2 =	sadd.s32 s2, s17  }
0x8e: {  	[smem:$0x3FC1] =	sst s2  }
0x8f: {  	_ = 	snop  }
0x90: {  	s2 =	sld [smem:$0x3FC9];
	(tm) =	ssettm $0x1  }
0x91: {  	s18 =	sld [smem:$0x3FFB];
	_ =	sdelay $0x3  }
0x92: {  	_ =	strace s18  }
0x93: {  	s3 =	sld [smem:$0x3FFC];
	_ =	sdelay $0x3  }
0x94: {  	_ =	strace s3  }
0x95: {  	s3 =	sld [smem:$0x3FFD];
	_ =	sdelay $0x3  }
0x96: {  	_ =	strace s3  }
0x97: {  	_ =	strace $0x8FFFFFFF  }
0x98: {  	s19 =	sld [smem:$0x3FDB];
	_ =	sdelay $0x1  }
0x99: {  	s4 =	simm.s32 $_scs_section_size  }
0x9a: {  	s5 =	simm.s32 $_size__tile_overlayer_lowered;
	s6 =	simm.s32 $_tile_overlayer_lowered  }
0x9b: {  	s22 =	simm.s32 $0x1BFF;
	s21 =	sshll.u32 s6, $0x1;
	s3 =	sadd.s32 s4, s19  }
0x9c: {  	s7 =	simm.s32 $0x0;
	s20 =	sshll.u32 s5, $0x1;
	s5 =	sadd.s32 s21, s3  }
0x9d: {  	[timem:s7], [sflag:s22] =	dma.local [hbm:s5], s20  }
0x9e: {  	_ =	swait.ge [sflag:s22], s20  }
0x9f: {  	s4 =	ssub.s32 $0x0, s20;
	[sflag:s22] =	ssyncset.done $0x0  }
0xa0: {  	[sflag:s22] =	ssyncadd.s32 s4;
	_ =	sdelay $0x1  }
0xa1: {  	s23 =	simm.s32 $0x1B8B  }
0xa2: {  	_ =	swait.ge [sflag:s23], $0x1  }
0xa3: {  	[sflag:s23] =	ssyncset.done $0x0  }
0xa4: {  	s25 =	simm.s32 $0x1B8E;
	s24 =	sld [smem:$0x3FFE];
	[sflag:s23] =	ssyncadd.s32 $0xFFFFFFFF  }
0xa5: {  	s26 =	simm.s32 $execute0_lowered;
	[smem:$0x3FD2] =	sst s25  }
0xa6: {  	s5 =	sshll.u32 s26, $0x1;
	_ =	strace $0x80000046;
	[dreg:$0x1] =	wrdreg $0xFFFFFFFF  }
0xa7: {  	s28 =	simm.s32 $_size_execute0_lowered;
	s3 =	sadd.s32 s3, s5;
	[dreg:$0x0] =	wrdreg $0x0  }
0xa8: {  	s5 =	sshll.u32 s28, $0x1;
	[dreg:$0x2] =	wrdreg s3  }
0xa9: {  	[dreg:$0x3] =	wrdreg s5  }
0xaa: {  	[dreg:$0x4] =	wrdreg $0xC0  }
0xab: {  	_ =	task [dreg:s7], $0x5FFFF  }
0xac: {  	[dreg:$0x1] =	wrdreg $0xFFFFFFFF  }
0xad: {  	[dreg:$0x0] =	wrdreg $0x60  }
0xae: {  	[dreg:$0x2] =	wrdreg s2  }
0xaf: {  	[dreg:$0x3] =	wrdreg s24  }
0xb0: {  	[dreg:$0x4] =	wrdreg $0x9  }
0xb1: {  	_ =	task.clear_ibuf [dreg:s7], $0x5FFFF;
	_ =	strace $0x90000046  }
0xb2: {  	s29 =	simm.s32 $0x9;
	_ =	strace $0x80000048  }
0xb3: {  	_ =	swait.ge [sflag:s29], $0x1  }
0xb4: {  	[sflag:s29] =	ssyncadd.s32 $0xFFFFFFFF  }
0xb5: {  	_ =	strace $0x90000048  }
0xb6: {  	_ =	sfence  }
0xb7: {  	s30 =	sld [smem:$0x0];
	_ =	sdelay $0x2  }
0xb8: {  	s31 =	sshll.u32 s1, $0xD;
	s1 =	sshrl.u32 s1, $0x2  }
0xb9: {  	s3 =	sand.u32 $0x4000, s31;
	s1 =	sadd.s32 s1, s30  }
0xba: {  	s0 =	sor.u32 s3, s0;
	s1 =	sshll.u32 s1, $0x11  }
0xbb: {  	s0 =	sor.u32 s1, s0  }
0xbc: {  	s0 =	sadd.s32 $0x8F2B, s0  }
0xbd: {  	[sflag:s0] =	ssyncadd.remote.s32 $0x1  }
0xbe: {  	_ =	sfence.sel $0xFFFF  }
0xbf: {  	[dreg:$0x0] =	wrdreg $0xFFFFFFFF;
	(pc) =	sbr.abs _section_cstart, $3  }
0xc0: {  	[dreg:$0x1] =	wrdreg $0xFFFFFFFF  }
0xc1: {  	_ =	task.clear_ibuf [dreg:s7], $0x2FFFF;
	_ =	strace $0x9FFFFFFF  }
0xc2: {  	(tm) =	ssettm $0x7FFFFFFF  }
0xc3: {  	_ =	shalt  }
tec
execute0_lowered:
.L_overlay_start_1:
0x0: {  	(tag) =	ssettag $0x1  }
0x1: {  	s2 =	rddreg [dreg:$0x0]  }
0x2: {  	s0 =	rddreg [dreg:$0x1]  }
0x3: {  	s1 =	srdreg.scid;
	s4 =	stileid.u32  }
0x4: {  	s3 =	simm.s32 $0x0;
	s26 =	simm.s32 $0x80;
	s18 =	simm.s32 $0x1100  }
0x5: {  	s19 =	simm.s32 $0x1900;
	s21 =	simm.s32 $0x2900;
	s22 =	simm.s32 $0x3100  }
0x6: {  	s28 =	simm.s32 $0x5900;
	s29 =	simm.s32 $0x6100;
	s30 =	simm.s32 $0x6900  }
0x7: {  	s31 =	simm.s32 $0x7100;
	s10 =	simm.s32 $0xA900;
	s1 =	sand.u32 $0x1, s1  }
0x8: {  	s4 =	sshll.u32 s4, $0x8;
	[smem:$0x7FF] =	sst s3;
	s7 =	sadd.s32 $0xF00, s0  }
0x9: {  	s8 =	sadd.s32 $0x1000, s0;
	s5 =	sshll.u32 s1, $0x7;
	s1 =	ssub.s32 $0x2, s1  }
0xa: {  	_ =	strace $0x80000047;
	[dreg:$0x4] =	wrdreg s26;
	s26 =	simm.s32 $0x5100  }
0xb: {  	s11 =	sor.u32 s5, s4;
	s24 =	sshrl.u32 s1, $0x1;
	s5 =	sadd.s32 $0x100, s2  }
0xc: {  	v10 =	vlaneseq.u32;
	s4 =	sshrl.u32 s11, $0x3;
	s1 =	ssub.s32 s1, s24;
	s12 =	sor.u32 $0x10, s11  }
0xd: {  	vm0 =	vmmov $0xffff;
	v8 =	vand.u32 $0x7, v10;
	v9 =	vshrl.u32 v10, $0x3;
	s13 =	sor.u32 $0x20, s11;
	s14 =	sor.u32 $0x30, s11;
	s15 =	sor.u32 $0x40, s11  }
0xe: {  	v9 =	vmul.u32 $0x8, v9;
	s20 =	sor.u32 $0x50, s11;
	s23 =	sor.u32 $0x60, s11;
	s24 =	sor.u32 $0x70, s11;
	v0 =	vor.u32 s11, v10;
	v1 =	vor.u32 s12, v10  }
0xf: {  	s11 =	simm.s32 $0x8900;
	s6 =	sadd.s32 s4, s0;
	s4 =	sadd.s32 $0xE00, s0;
	v2 =	vor.u32 s13, v10;
	v3 =	vor.u32 s14, v10;
	v4 =	vor.u32 s15, v10  }
0x10: {  	s9 =	smax.u32 s1, $0x1;
	v5 =	vor.u32 s20, v10;
	v6 =	vor.u32 s23, v10;
	v7 =	vor.u32 s24, v10;
	s15 =	simm.s32 $0x1;
	s20 =	simm.s32 $0x2100  }
0x11: {  	v0 =	vand.u32 $0x78F, v0;
	v10 =	vor.u32 $0x8, v10;
	s23 =	simm.s32 $0x3900;
	s24 =	simm.s32 $0x4100;
	s12 =	simm.s32 $0x9100;
	v1 =	vand.u32 $0x79F, v1  }
0x12: {  	s13 =	simm.s32 $0x9900;
	s14 =	simm.s32 $0xA100;
	s25 =	sadd.s32 $0xC00, s6;
	v2 =	vand.u32 $0x7AF, v2;
	v3 =	vand.u32 $0x7BF, v3;
	v4 =	vand.u32 $0x7CF, v4  }
0x13: {  	s6 =	sadd.s32 $0x200, s2;
	v5 =	vand.u32 $0x7DF, v5;
	v6 =	vand.u32 $0x7EF, v6;
	v7 =	vand.u32 $0x7FF, v7;
	[dreg:$0x3] =	wrdreg s25;
	s25 =	simm.s32 $0x4900  }
.LBB2_1:
0x14: {  	[tilespmem:$0x0] =	vst v0  }
0x15: {  	[tilespmem:$0x10] =	vst v1  }
0x16: {  	[tilespmem:$0x20] =	vst v2  }
0x17: {  	[tilespmem:$0x30] =	vst v3  }
0x18: {  	[tilespmem:$0x40] =	vst v4  }
0x19: {  	[tilespmem:$0x50] =	vst v5  }
0x1a: {  	s16 =	rddreg [dreg:$0x3];
	[tilespmem:$0x60] =	vst v6  }
0x1b: {  	s17 =	rddreg [dreg:$0x4];
	[tilespmem:$0x70] =	vst v7;
	s0 =	simm.s32 $0x2  }
0x1c: {  	[tilespmem:s17], [sflag:$0x2] =	stream.linear.gather [hbm4b:s16+s3], $0x80, $0x38;
	[tilespmem:$0x18100] =	vst v63  }
0x1d: {  	_ =	swait.ge [sflag:s0], $0x80  }
0x1e: {  	[sflag:s0] =	ssyncset.done $0x0  }
0x1f: {  	[sflag:s0] =	ssyncadd.s32 $0xFFFFFF80  }
0x20: {  	v11 =	vld [tilespmem:$0x0];
	_ =	sdelay $0x4  }
0x21: {  	v12 =	vshrl.u32 v11, $0x3  }
0x22: {  	v12 =	vmul.u32 $0x30, v12  }
0x23: {  	v11 =	vand.u32 $0x7, v11  }
0x24: {  	v11 =	vor.u32 v11, v12  }
0x25: {  	v12 =	vperm.xlane v11, v8;
	_ =	sdelay $0x1  }
0x26: {  	v12 =	vadd.s32 v9, v12;
	_ =	sdelay $0x3  }
0x27: {  	s16 =	simm.s32 $0x100;
	v11 =	vperm.xlane v11, v10  }
0x28: {  	[tilespmem:s16], [sflag:$0x1] =	stream.indirect_vreg.gather [hbm4b:s2+s3], $0x80, v12, vm0, $0xb8;
	[tilespmem:$0x18100] =	vst v63  }
0x29: {  	s17 =	simm.s32 $0x900;
	v11 =	vadd.s32 v9, v11  }
0x2a: {  	[tilespmem:s17], [sflag:$0x1] =	stream.indirect_vreg.gather [hbm4b:s5+s3], $0x80, v12, vm0, $0xb8;
	[tilespmem:$0x18100] =	vst v63  }
0x2b: {  	_ = 	snop  }
0x2c: {  	[tilespmem:s18], [sflag:$0x1] =	stream.indirect_vreg.gather [hbm4b:s6+s3], $0x80, v12, vm0, $0xb8;
	[tilespmem:$0x18100] =	vst v63  }
0x2d: {  	_ = 	snop  }
0x2e: {  	[tilespmem:s19], [sflag:$0x1] =	stream.indirect_vreg.gather [hbm4b:s2+s3], $0x80, v11, vm0, $0xb8;
	[tilespmem:$0x18100] =	vst v63  }
0x2f: {  	_ = 	snop  }
0x30: {  	[tilespmem:s20], [sflag:$0x1] =	stream.indirect_vreg.gather [hbm4b:s5+s3], $0x80, v11, vm0, $0xb8;
	[tilespmem:$0x18100] =	vst v63  }
0x31: {  	_ = 	snop  }
0x32: {  	[tilespmem:s21], [sflag:$0x1] =	stream.indirect_vreg.gather [hbm4b:s6+s3], $0x80, v11, vm0, $0xb8;
	[tilespmem:$0x18100] =	vst v63  }
0x33: {  	v11 =	vld [tilespmem:$0x10];
	_ =	sdelay $0x4  }
0x34: {  	v49 =	vshrl.u32 v11, $0x3  }
0x35: {  	v12 =	vmul.u32 $0x30, v49  }
0x36: {  	v11 =	vand.u32 $0x7, v11  }
0x37: {  	v11 =	vor.u32 v11, v12  }
0x38: {  	v12 =	vperm.xlane v11, v8;
	_ =	sdelay $0x1  }
0x39: {  	v12 =	vadd.s32 v9, v12;
	_ =	sdelay $0x3  }
0x3a: {  	v11 =	vperm.xlane v11, v10  }
0x3b: {  	[tilespmem:s22], [sflag:$0x1] =	stream.indirect_vreg.gather [hbm4b:s2+s3], $0x80, v12, vm0, $0xb8;
	[tilespmem:$0x18100] =	vst v63  }
0x3c: {  	v11 =	vadd.s32 v9, v11  }
0x3d: {  	[tilespmem:s23], [sflag:$0x1] =	stream.indirect_vreg.gather [hbm4b:s5+s3], $0x80, v12, vm0, $0xb8;
	[tilespmem:$0x18100] =	vst v63  }
0x3e: {  	_ = 	snop  }
0x3f: {  	[tilespmem:s24], [sflag:$0x1] =	stream.indirect_vreg.gather [hbm4b:s6+s3], $0x80, v12, vm0, $0xb8;
	[tilespmem:$0x18100] =	vst v63  }
0x40: {  	_ = 	snop  }
0x41: {  	[tilespmem:s25], [sflag:$0x1] =	stream.indirect_vreg.gather [hbm4b:s2+s3], $0x80, v11, vm0, $0xb8;
	[tilespmem:$0x18100] =	vst v63  }
0x42: {  	_ = 	snop  }
0x43: {  	[tilespmem:s26], [sflag:$0x1] =	stream.indirect_vreg.gather [hbm4b:s5+s3], $0x80, v11, vm0, $0xb8;
	[tilespmem:$0x18100] =	vst v63  }
0x44: {  	_ = 	snop  }
0x45: {  	[tilespmem:s28], [sflag:$0x1] =	stream.indirect_vreg.gather [hbm4b:s6+s3], $0x80, v11, vm0, $0xb8;
	[tilespmem:$0x18100] =	vst v63  }
0x46: {  	v11 =	vld [tilespmem:$0x20];
	_ =	sdelay $0x4  }
0x47: {  	v50 =	vshrl.u32 v11, $0x3  }
0x48: {  	v12 =	vmul.u32 $0x30, v50  }
0x49: {  	v11 =	vand.u32 $0x7, v11  }
0x4a: {  	v11 =	vor.u32 v11, v12  }
0x4b: {  	v12 =	vperm.xlane v11, v8;
	_ =	sdelay $0x1  }
0x4c: {  	v12 =	vadd.s32 v9, v12;
	_ =	sdelay $0x3  }
0x4d: {  	v11 =	vperm.xlane v11, v10  }
0x4e: {  	[tilespmem:s29], [sflag:$0x1] =	stream.indirect_vreg.gather [hbm4b:s2+s3], $0x80, v12, vm0, $0xb8;
	[tilespmem:$0x18100] =	vst v63  }
0x4f: {  	v11 =	vadd.s32 v9, v11  }
0x50: {  	[tilespmem:s30], [sflag:$0x1] =	stream.indirect_vreg.gather [hbm4b:s5+s3], $0x80, v12, vm0, $0xb8;
	[tilespmem:$0x18100] =	vst v63  }
0x51: {  	_ = 	snop  }
0x52: {  	[tilespmem:s31], [sflag:$0x1] =	stream.indirect_vreg.gather [hbm4b:s6+s3], $0x80, v12, vm0, $0xb8;
	[tilespmem:$0x18100] =	vst v63  }
0x53: {  	s1 =	simm.s32 $0x7900  }
0x54: {  	[tilespmem:s1], [sflag:$0x1] =	stream.indirect_vreg.gather [hbm4b:s2+s3], $0x80, v11, vm0, $0xb8;
	[tilespmem:$0x18100] =	vst v63  }
0x55: {  	s1 =	simm.s32 $0x8100  }
0x56: {  	[tilespmem:s1], [sflag:$0x1] =	stream.indirect_vreg.gather [hbm4b:s5+s3], $0x80, v11, vm0, $0xb8;
	[tilespmem:$0x18100] =	vst v63  }
0x57: {  	_ = 	snop  }
0x58: {  	[tilespmem:s11], [sflag:$0x1] =	stream.indirect_vreg.gather [hbm4b:s6+s3], $0x80, v11, vm0, $0xb8;
	[tilespmem:$0x18100] =	vst v63  }
0x59: {  	v11 =	vld [tilespmem:$0x30];
	_ =	sdelay $0x4  }
0x5a: {  	v51 =	vshrl.u32 v11, $0x3  }
0x5b: {  	v12 =	vmul.u32 $0x30, v51  }
0x5c: {  	v11 =	vand.u32 $0x7, v11  }
0x5d: {  	v11 =	vor.u32 v11, v12  }
0x5e: {  	v12 =	vperm.xlane v11, v8;
	_ =	sdelay $0x1  }
0x5f: {  	v12 =	vadd.s32 v9, v12;
	_ =	sdelay $0x3  }
0x60: {  	v11 =	vperm.xlane v11, v10  }
0x61: {  	[tilespmem:s12], [sflag:$0x1] =	stream.indirect_vreg.gather [hbm4b:s2+s3], $0x80, v12, vm0, $0xb8;
	[tilespmem:$0x18100] =	vst v63  }
0x62: {  	v11 =	vadd.s32 v9, v11  }
0x63: {  	[tilespmem:s13], [sflag:$0x1] =	stream.indirect_vreg.gather [hbm4b:s5+s3], $0x80, v12, vm0, $0xb8;
	[tilespmem:$0x18100] =	vst v63  }
0x64: {  	_ = 	snop  }
0x65: {  	[tilespmem:s14], [sflag:$0x1] =	stream.indirect_vreg.gather [hbm4b:s6+s3], $0x80, v12, vm0, $0xb8;
	[tilespmem:$0x18100] =	vst v63  }
0x66: {  	_ = 	snop  }
0x67: {  	[tilespmem:s10], [sflag:$0x1] =	stream.indirect_vreg.gather [hbm4b:s2+s3], $0x80, v11, vm0, $0xb8;
	[tilespmem:$0x18100] =	vst v63  }
0x68: {  	s0 =	simm.s32 $0xB100  }
0x69: {  	[tilespmem:s0], [sflag:$0x1] =	stream.indirect_vreg.gather [hbm4b:s5+s3], $0x80, v11, vm0, $0xb8;
	[tilespmem:$0x18100] =	vst v63  }
0x6a: {  	s0 =	simm.s32 $0xB900  }
0x6b: {  	[tilespmem:s0], [sflag:$0x1] =	stream.indirect_vreg.gather [hbm4b:s6+s3], $0x80, v11, vm0, $0xb8;
	[tilespmem:$0x18100] =	vst v63  }
0x6c: {  	v11 =	vld [tilespmem:$0x40];
	_ =	sdelay $0x4  }
0x6d: {  	v52 =	vshrl.u32 v11, $0x3  }
0x6e: {  	v12 =	vmul.u32 $0x30, v52  }
0x6f: {  	v11 =	vand.u32 $0x7, v11  }
0x70: {  	v11 =	vor.u32 v11, v12  }
0x71: {  	v12 =	vperm.xlane v11, v8;
	_ =	sdelay $0x1  }
0x72: {  	v12 =	vadd.s32 v9, v12;
	_ =	sdelay $0x3  }
0x73: {  	s0 =	simm.s32 $0xC100;
	v11 =	vperm.xlane v11, v10  }
0x74: {  	[tilespmem:s0], [sflag:$0x1] =	stream.indirect_vreg.gather [hbm4b:s2+s3], $0x80, v12, vm0, $0xb8;
	[tilespmem:$0x18100] =	vst v63  }
0x75: {  	v11 =	vadd.s32 v9, v11;
	s0 =	simm.s32 $0xC900  }
0x76: {  	[tilespmem:s0], [sflag:$0x1] =	stream.indirect_vreg.gather [hbm4b:s5+s3], $0x80, v12, vm0, $0xb8;
	[tilespmem:$0x18100] =	vst v63  }
0x77: {  	s0 =	simm.s32 $0xD100  }
0x78: {  	[tilespmem:s0], [sflag:$0x1] =	stream.indirect_vreg.gather [hbm4b:s6+s3], $0x80, v12, vm0, $0xb8;
	[tilespmem:$0x18100] =	vst v63  }
0x79: {  	s0 =	simm.s32 $0xD900  }
0x7a: {  	[tilespmem:s0], [sflag:$0x1] =	stream.indirect_vreg.gather [hbm4b:s2+s3], $0x80, v11, vm0, $0xb8;
	[tilespmem:$0x18100] =	vst v63  }
0x7b: {  	s0 =	simm.s32 $0xE100  }
0x7c: {  	[tilespmem:s0], [sflag:$0x1] =	stream.indirect_vreg.gather [hbm4b:s5+s3], $0x80, v11, vm0, $0xb8;
	[tilespmem:$0x18100] =	vst v63  }
0x7d: {  	s0 =	simm.s32 $0xE900  }
0x7e: {  	[tilespmem:s0], [sflag:$0x1] =	stream.indirect_vreg.gather [hbm4b:s6+s3], $0x80, v11, vm0, $0xb8;
	[tilespmem:$0x18100] =	vst v63  }
0x7f: {  	v11 =	vld [tilespmem:$0x50];
	_ =	sdelay $0x4  }
0x80: {  	v53 =	vshrl.u32 v11, $0x3  }
0x81: {  	v12 =	vmul.u32 $0x30, v53  }
0x82: {  	v11 =	vand.u32 $0x7, v11  }
0x83: {  	v11 =	vor.u32 v11, v12  }
0x84: {  	v12 =	vperm.xlane v11, v8;
	_ =	sdelay $0x1  }
0x85: {  	v12 =	vadd.s32 v9, v12;
	_ =	sdelay $0x3  }
0x86: {  	s0 =	simm.s32 $0xF100;
	v11 =	vperm.xlane v11, v10  }
0x87: {  	[tilespmem:s0], [sflag:$0x1] =	stream.indirect_vreg.gather [hbm4b:s2+s3], $0x80, v12, vm0, $0xb8;
	[tilespmem:$0x18100] =	vst v63  }
0x88: {  	v11 =	vadd.s32 v9, v11;
	s0 =	simm.s32 $0xF900  }
0x89: {  	[tilespmem:s0], [sflag:$0x1] =	stream.indirect_vreg.gather [hbm4b:s5+s3], $0x80, v12, vm0, $0xb8;
	[tilespmem:$0x18100] =	vst v63  }
0x8a: {  	s0 =	simm.s32 $0x10100  }
0x8b: {  	[tilespmem:s0], [sflag:$0x1] =	stream.indirect_vreg.gather [hbm4b:s6+s3], $0x80, v12, vm0, $0xb8;
	[tilespmem:$0x18100] =	vst v63  }
0x8c: {  	s0 =	simm.s32 $0x10900  }
0x8d: {  	[tilespmem:s0], [sflag:$0x1] =	stream.indirect_vreg.gather [hbm4b:s2+s3], $0x80, v11, vm0, $0xb8;
	[tilespmem:$0x18100] =	vst v63  }
0x8e: {  	s0 =	simm.s32 $0x11100  }
0x8f: {  	[tilespmem:s0], [sflag:$0x1] =	stream.indirect_vreg.gather [hbm4b:s5+s3], $0x80, v11, vm0, $0xb8;
	[tilespmem:$0x18100] =	vst v63  }
0x90: {  	s0 =	simm.s32 $0x11900  }
0x91: {  	[tilespmem:s0], [sflag:$0x1] =	stream.indirect_vreg.gather [hbm4b:s6+s3], $0x80, v11, vm0, $0xb8;
	[tilespmem:$0x18100] =	vst v63  }
0x92: {  	v11 =	vld [tilespmem:$0x60];
	_ =	sdelay $0x4  }
0x93: {  	v54 =	vshrl.u32 v11, $0x3  }
0x94: {  	v12 =	vmul.u32 $0x30, v54  }
0x95: {  	v11 =	vand.u32 $0x7, v11  }
0x96: {  	v11 =	vor.u32 v11, v12  }
0x97: {  	v12 =	vperm.xlane v11, v8;
	_ =	sdelay $0x1  }
0x98: {  	v12 =	vadd.s32 v9, v12;
	_ =	sdelay $0x3  }
0x99: {  	s0 =	simm.s32 $0x12100;
	v11 =	vperm.xlane v11, v10  }
0x9a: {  	[tilespmem:s0], [sflag:$0x1] =	stream.indirect_vreg.gather [hbm4b:s2+s3], $0x80, v12, vm0, $0xb8;
	[tilespmem:$0x18100] =	vst v63  }
0x9b: {  	v11 =	vadd.s32 v9, v11;
	s0 =	simm.s32 $0x12900  }
0x9c: {  	[tilespmem:s0], [sflag:$0x1] =	stream.indirect_vreg.gather [hbm4b:s5+s3], $0x80, v12, vm0, $0xb8;
	[tilespmem:$0x18100] =	vst v63  }
0x9d: {  	s0 =	simm.s32 $0x13100  }
0x9e: {  	[tilespmem:s0], [sflag:$0x1] =	stream.indirect_vreg.gather [hbm4b:s6+s3], $0x80, v12, vm0, $0xb8;
	[tilespmem:$0x18100] =	vst v63  }
0x9f: {  	s0 =	simm.s32 $0x13900  }
0xa0: {  	[tilespmem:s0], [sflag:$0x1] =	stream.indirect_vreg.gather [hbm4b:s2+s3], $0x80, v11, vm0, $0xb8;
	[tilespmem:$0x18100] =	vst v63  }
0xa1: {  	s0 =	simm.s32 $0x14100  }
0xa2: {  	[tilespmem:s0], [sflag:$0x1] =	stream.indirect_vreg.gather [hbm4b:s5+s3], $0x80, v11, vm0, $0xb8;
	[tilespmem:$0x18100] =	vst v63  }
0xa3: {  	s0 =	simm.s32 $0x14900  }
0xa4: {  	[tilespmem:s0], [sflag:$0x1] =	stream.indirect_vreg.gather [hbm4b:s6+s3], $0x80, v11, vm0, $0xb8;
	[tilespmem:$0x18100] =	vst v63  }
0xa5: {  	v11 =	vld [tilespmem:$0x70];
	_ =	sdelay $0x4  }
0xa6: {  	v55 =	vshrl.u32 v11, $0x3  }
0xa7: {  	v12 =	vmul.u32 $0x30, v55  }
0xa8: {  	v11 =	vand.u32 $0x7, v11  }
0xa9: {  	v11 =	vor.u32 v11, v12  }
0xaa: {  	v12 =	vperm.xlane v11, v8;
	_ =	sdelay $0x1  }
0xab: {  	v12 =	vadd.s32 v9, v12;
	_ =	sdelay $0x3  }
0xac: {  	s0 =	simm.s32 $0x15100;
	v11 =	vperm.xlane v11, v10  }
0xad: {  	[tilespmem:s0], [sflag:$0x1] =	stream.indirect_vreg.gather [hbm4b:s2+s3], $0x80, v12, vm0, $0xb8;
	[tilespmem:$0x18100] =	vst v63  }
0xae: {  	v11 =	vadd.s32 v9, v11;
	s0 =	simm.s32 $0x15900  }
0xaf: {  	[tilespmem:s0], [sflag:$0x1] =	stream.indirect_vreg.gather [hbm4b:s5+s3], $0x80, v12, vm0, $0xb8;
	[tilespmem:$0x18100] =	vst v63  }
0xb0: {  	s0 =	simm.s32 $0x16100  }
0xb1: {  	[tilespmem:s0], [sflag:$0x1] =	stream.indirect_vreg.gather [hbm4b:s6+s3], $0x80, v12, vm0, $0xb8;
	[tilespmem:$0x18100] =	vst v63  }
0xb2: {  	s0 =	simm.s32 $0x16900  }
0xb3: {  	[tilespmem:s0], [sflag:$0x1] =	stream.indirect_vreg.gather [hbm4b:s2+s3], $0x80, v11, vm0, $0xb8;
	[tilespmem:$0x18100] =	vst v63  }
0xb4: {  	s0 =	simm.s32 $0x17100  }
0xb5: {  	[tilespmem:s0], [sflag:$0x1] =	stream.indirect_vreg.gather [hbm4b:s5+s3], $0x80, v11, vm0, $0xb8;
	[tilespmem:$0x18100] =	vst v63  }
0xb6: {  	s0 =	simm.s32 $0x17900  }
0xb7: {  	[tilespmem:s0], [sflag:$0x1] =	stream.indirect_vreg.gather [hbm4b:s6+s3], $0x80, v11, vm0, $0xb8;
	[tilespmem:$0x18100] =	vst v63  }
0xb8: {  	_ =	swait.ge [sflag:s15], $0x18000  }
0xb9: {  	[sflag:s15] =	ssyncset.done $0x0  }
0xba: {  	[sflag:s15] =	ssyncadd.s32 $0xFFFE8000  }
0xbb: {  	v11 =	vld [tilespmem:$0x80];
	_ =	sdelay $0x4  }
0xbc: {  	v56 =	vshrl.u32 v11, $0x3  }
0xbd: {  	v12 =	vmul.u32 $0x30, v56  }
0xbe: {  	v11 =	vand.u32 $0x7, v11  }
0xbf: {  	v11 =	vor.u32 v11, v12  }
0xc0: {  	v12 =	vperm.xlane v11, v8;
	_ =	sdelay $0x1  }
0xc1: {  	v12 =	vadd.s32 v9, v12;
	_ =	sdelay $0x3  }
0xc2: {  	v11 =	vperm.xlane v11, v10  }
0xc3: {  	[hbm4b:s4+s3] =	stream.indirect_vreg.scatter [tilespmem:s16], [sflag:$0x1], $0x80, v12, vm0, $0xb8;
	[tilespmem:$0x18100] =	vst v63  }
0xc4: {  	v11 =	vadd.s32 v9, v11  }
0xc5: {  	[hbm4b:s7+s3] =	stream.indirect_vreg.scatter [tilespmem:s17], [sflag:$0x1], $0x80, v12, vm0, $0xb8;
	[tilespmem:$0x18100] =	vst v63  }
0xc6: {  	_ = 	snop  }
0xc7: {  	[hbm4b:s8+s3] =	stream.indirect_vreg.scatter [tilespmem:s18], [sflag:$0x1], $0x80, v12, vm0, $0xb8;
	[tilespmem:$0x18100] =	vst v63  }
0xc8: {  	_ = 	snop  }
0xc9: {  	[hbm4b:s4+s3] =	stream.indirect_vreg.scatter [tilespmem:s19], [sflag:$0x1], $0x80, v11, vm0, $0xb8;
	[tilespmem:$0x18100] =	vst v63  }
0xca: {  	_ = 	snop  }
0xcb: {  	[hbm4b:s7+s3] =	stream.indirect_vreg.scatter [tilespmem:s20], [sflag:$0x1], $0x80, v11, vm0, $0xb8;
	[tilespmem:$0x18100] =	vst v63  }
0xcc: {  	_ = 	snop  }
0xcd: {  	[hbm4b:s8+s3] =	stream.indirect_vreg.scatter [tilespmem:s21], [sflag:$0x1], $0x80, v11, vm0, $0xb8;
	[tilespmem:$0x18100] =	vst v63  }
0xce: {  	v11 =	vld [tilespmem:$0x90];
	_ =	sdelay $0x4  }
0xcf: {  	v57 =	vshrl.u32 v11, $0x3  }
0xd0: {  	v12 =	vmul.u32 $0x30, v57  }
0xd1: {  	v11 =	vand.u32 $0x7, v11  }
0xd2: {  	v11 =	vor.u32 v11, v12  }
0xd3: {  	v12 =	vperm.xlane v11, v8;
	_ =	sdelay $0x1  }
0xd4: {  	v12 =	vadd.s32 v9, v12;
	_ =	sdelay $0x3  }
0xd5: {  	v11 =	vperm.xlane v11, v10  }
0xd6: {  	[hbm4b:s4+s3] =	stream.indirect_vreg.scatter [tilespmem:s22], [sflag:$0x1], $0x80, v12, vm0, $0xb8;
	[tilespmem:$0x18100] =	vst v63  }
0xd7: {  	v11 =	vadd.s32 v9, v11  }
0xd8: {  	[hbm4b:s7+s3] =	stream.indirect_vreg.scatter [tilespmem:s23], [sflag:$0x1], $0x80, v12, vm0, $0xb8;
	[tilespmem:$0x18100] =	vst v63  }
0xd9: {  	_ = 	snop  }
0xda: {  	[hbm4b:s8+s3] =	stream.indirect_vreg.scatter [tilespmem:s24], [sflag:$0x1], $0x80, v12, vm0, $0xb8;
	[tilespmem:$0x18100] =	vst v63  }
0xdb: {  	_ = 	snop  }
0xdc: {  	[hbm4b:s4+s3] =	stream.indirect_vreg.scatter [tilespmem:s25], [sflag:$0x1], $0x80, v11, vm0, $0xb8;
	[tilespmem:$0x18100] =	vst v63  }
0xdd: {  	_ = 	snop  }
0xde: {  	[hbm4b:s7+s3] =	stream.indirect_vreg.scatter [tilespmem:s26], [sflag:$0x1], $0x80, v11, vm0, $0xb8;
	[tilespmem:$0x18100] =	vst v63  }
0xdf: {  	_ = 	snop  }
0xe0: {  	[hbm4b:s8+s3] =	stream.indirect_vreg.scatter [tilespmem:s28], [sflag:$0x1], $0x80, v11, vm0, $0xb8;
	[tilespmem:$0x18100] =	vst v63  }
0xe1: {  	v11 =	vld [tilespmem:$0xA0];
	_ =	sdelay $0x4  }
0xe2: {  	v58 =	vshrl.u32 v11, $0x3  }
0xe3: {  	v12 =	vmul.u32 $0x30, v58  }
0xe4: {  	v11 =	vand.u32 $0x7, v11  }
0xe5: {  	v11 =	vor.u32 v11, v12  }
0xe6: {  	v12 =	vperm.xlane v11, v8;
	_ =	sdelay $0x1  }
0xe7: {  	v12 =	vadd.s32 v9, v12;
	_ =	sdelay $0x3  }
0xe8: {  	v11 =	vperm.xlane v11, v10  }
0xe9: {  	[hbm4b:s4+s3] =	stream.indirect_vreg.scatter [tilespmem:s29], [sflag:$0x1], $0x80, v12, vm0, $0xb8;
	[tilespmem:$0x18100] =	vst v63  }
0xea: {  	v11 =	vadd.s32 v9, v11  }
0xeb: {  	[hbm4b:s7+s3] =	stream.indirect_vreg.scatter [tilespmem:s30], [sflag:$0x1], $0x80, v12, vm0, $0xb8;
	[tilespmem:$0x18100] =	vst v63  }
0xec: {  	_ = 	snop  }
0xed: {  	[hbm4b:s8+s3] =	stream.indirect_vreg.scatter [tilespmem:s31], [sflag:$0x1], $0x80, v12, vm0, $0xb8;
	[tilespmem:$0x18100] =	vst v63  }
0xee: {  	s17 =	simm.s32 $0x7900  }
0xef: {  	[hbm4b:s4+s3] =	stream.indirect_vreg.scatter [tilespmem:s17], [sflag:$0x1], $0x80, v11, vm0, $0xb8;
	[tilespmem:$0x18100] =	vst v63  }
0xf0: {  	_ = 	snop  }
0xf1: {  	[hbm4b:s7+s3] =	stream.indirect_vreg.scatter [tilespmem:s1], [sflag:$0x1], $0x80, v11, vm0, $0xb8;
	[tilespmem:$0x18100] =	vst v63  }
0xf2: {  	_ = 	snop  }
0xf3: {  	[hbm4b:s8+s3] =	stream.indirect_vreg.scatter [tilespmem:s11], [sflag:$0x1], $0x80, v11, vm0, $0xb8;
	[tilespmem:$0x18100] =	vst v63  }
0xf4: {  	v11 =	vld [tilespmem:$0xB0];
	_ =	sdelay $0x4  }
0xf5: {  	v59 =	vshrl.u32 v11, $0x3  }
0xf6: {  	v12 =	vmul.u32 $0x30, v59  }
0xf7: {  	v11 =	vand.u32 $0x7, v11  }
0xf8: {  	v11 =	vor.u32 v11, v12  }
0xf9: {  	v12 =	vperm.xlane v11, v8;
	_ =	sdelay $0x1  }
0xfa: {  	v12 =	vadd.s32 v9, v12;
	_ =	sdelay $0x3  }
0xfb: {  	v11 =	vperm.xlane v11, v10  }
0xfc: {  	[hbm4b:s4+s3] =	stream.indirect_vreg.scatter [tilespmem:s12], [sflag:$0x1], $0x80, v12, vm0, $0xb8;
	[tilespmem:$0x18100] =	vst v63  }
0xfd: {  	v11 =	vadd.s32 v9, v11  }
0xfe: {  	[hbm4b:s7+s3] =	stream.indirect_vreg.scatter [tilespmem:s13], [sflag:$0x1], $0x80, v12, vm0, $0xb8;
	[tilespmem:$0x18100] =	vst v63  }
0xff: {  	_ = 	snop  }
0x100: {  	[hbm4b:s8+s3] =	stream.indirect_vreg.scatter [tilespmem:s14], [sflag:$0x1], $0x80, v12, vm0, $0xb8;
	[tilespmem:$0x18100] =	vst v63  }
0x101: {  	_ = 	snop  }
0x102: {  	[hbm4b:s4+s3] =	stream.indirect_vreg.scatter [tilespmem:s10], [sflag:$0x1], $0x80, v11, vm0, $0xb8;
	[tilespmem:$0x18100] =	vst v63  }
0x103: {  	s17 =	simm.s32 $0xB100  }
0x104: {  	[hbm4b:s7+s3] =	stream.indirect_vreg.scatter [tilespmem:s17], [sflag:$0x1], $0x80, v11, vm0, $0xb8;
	[tilespmem:$0x18100] =	vst v63  }
0x105: {  	s16 =	simm.s32 $0xB900  }
0x106: {  	[hbm4b:s8+s3] =	stream.indirect_vreg.scatter [tilespmem:s16], [sflag:$0x1], $0x80, v11, vm0, $0xb8;
	[tilespmem:$0x18100] =	vst v63  }
0x107: {  	v11 =	vld [tilespmem:$0xC0];
	_ =	sdelay $0x4  }
0x108: {  	v60 =	vshrl.u32 v11, $0x3  }
0x109: {  	v12 =	vmul.u32 $0x30, v60  }
0x10a: {  	v11 =	vand.u32 $0x7, v11  }
0x10b: {  	v11 =	vor.u32 v11, v12  }
0x10c: {  	v12 =	vperm.xlane v11, v8;
	_ =	sdelay $0x1  }
0x10d: {  	v12 =	vadd.s32 v9, v12;
	_ =	sdelay $0x3  }
0x10e: {  	s17 =	simm.s32 $0xC100;
	v11 =	vperm.xlane v11, v10  }
0x10f: {  	[hbm4b:s4+s3] =	stream.indirect_vreg.scatter [tilespmem:s17], [sflag:$0x1], $0x80, v12, vm0, $0xb8;
	[tilespmem:$0x18100] =	vst v63  }
0x110: {  	s16 =	simm.s32 $0xC900;
	v11 =	vadd.s32 v9, v11  }
0x111: {  	[hbm4b:s7+s3] =	stream.indirect_vreg.scatter [tilespmem:s16], [sflag:$0x1], $0x80, v12, vm0, $0xb8;
	[tilespmem:$0x18100] =	vst v63  }
0x112: {  	s17 =	simm.s32 $0xD100  }
0x113: {  	[hbm4b:s8+s3] =	stream.indirect_vreg.scatter [tilespmem:s17], [sflag:$0x1], $0x80, v12, vm0, $0xb8;
	[tilespmem:$0x18100] =	vst v63  }
0x114: {  	s16 =	simm.s32 $0xD900  }
0x115: {  	[hbm4b:s4+s3] =	stream.indirect_vreg.scatter [tilespmem:s16], [sflag:$0x1], $0x80, v11, vm0, $0xb8;
	[tilespmem:$0x18100] =	vst v63  }
0x116: {  	s17 =	simm.s32 $0xE100  }
0x117: {  	[hbm4b:s7+s3] =	stream.indirect_vreg.scatter [tilespmem:s17], [sflag:$0x1], $0x80, v11, vm0, $0xb8;
	[tilespmem:$0x18100] =	vst v63  }
0x118: {  	s16 =	simm.s32 $0xE900  }
0x119: {  	[hbm4b:s8+s3] =	stream.indirect_vreg.scatter [tilespmem:s16], [sflag:$0x1], $0x80, v11, vm0, $0xb8;
	[tilespmem:$0x18100] =	vst v63  }
0x11a: {  	v11 =	vld [tilespmem:$0xD0];
	_ =	sdelay $0x4  }
0x11b: {  	v61 =	vshrl.u32 v11, $0x3  }
0x11c: {  	v12 =	vmul.u32 $0x30, v61  }
0x11d: {  	v11 =	vand.u32 $0x7, v11  }
0x11e: {  	v11 =	vor.u32 v11, v12  }
0x11f: {  	v12 =	vperm.xlane v11, v8;
	_ =	sdelay $0x1  }
0x120: {  	v12 =	vadd.s32 v9, v12;
	_ =	sdelay $0x3  }
0x121: {  	s17 =	simm.s32 $0xF100;
	v11 =	vperm.xlane v11, v10  }
0x122: {  	[hbm4b:s4+s3] =	stream.indirect_vreg.scatter [tilespmem:s17], [sflag:$0x1], $0x80, v12, vm0, $0xb8;
	[tilespmem:$0x18100] =	vst v63  }
0x123: {  	s16 =	simm.s32 $0xF900;
	v11 =	vadd.s32 v9, v11  }
0x124: {  	[hbm4b:s7+s3] =	stream.indirect_vreg.scatter [tilespmem:s16], [sflag:$0x1], $0x80, v12, vm0, $0xb8;
	[tilespmem:$0x18100] =	vst v63  }
0x125: {  	s17 =	simm.s32 $0x10100  }
0x126: {  	[hbm4b:s8+s3] =	stream.indirect_vreg.scatter [tilespmem:s17], [sflag:$0x1], $0x80, v12, vm0, $0xb8;
	[tilespmem:$0x18100] =	vst v63  }
0x127: {  	s16 =	simm.s32 $0x10900  }
0x128: {  	[hbm4b:s4+s3] =	stream.indirect_vreg.scatter [tilespmem:s16], [sflag:$0x1], $0x80, v11, vm0, $0xb8;
	[tilespmem:$0x18100] =	vst v63  }
0x129: {  	s17 =	simm.s32 $0x11100  }
0x12a: {  	[hbm4b:s7+s3] =	stream.indirect_vreg.scatter [tilespmem:s17], [sflag:$0x1], $0x80, v11, vm0, $0xb8;
	[tilespmem:$0x18100] =	vst v63  }
0x12b: {  	s16 =	simm.s32 $0x11900  }
0x12c: {  	[hbm4b:s8+s3] =	stream.indirect_vreg.scatter [tilespmem:s16], [sflag:$0x1], $0x80, v11, vm0, $0xb8;
	[tilespmem:$0x18100] =	vst v63  }
0x12d: {  	v11 =	vld [tilespmem:$0xE0];
	_ =	sdelay $0x4  }
0x12e: {  	v62 =	vshrl.u32 v11, $0x3  }
0x12f: {  	v12 =	vmul.u32 $0x30, v62  }
0x130: {  	v11 =	vand.u32 $0x7, v11  }
0x131: {  	v11 =	vor.u32 v11, v12  }
0x132: {  	v12 =	vperm.xlane v11, v8;
	_ =	sdelay $0x1  }
0x133: {  	v12 =	vadd.s32 v9, v12;
	_ =	sdelay $0x3  }
0x134: {  	s17 =	simm.s32 $0x12100;
	v11 =	vperm.xlane v11, v10  }
0x135: {  	[hbm4b:s4+s3] =	stream.indirect_vreg.scatter [tilespmem:s17], [sflag:$0x1], $0x80, v12, vm0, $0xb8;
	[tilespmem:$0x18100] =	vst v63  }
0x136: {  	s16 =	simm.s32 $0x12900;
	v11 =	vadd.s32 v9, v11  }
0x137: {  	[hbm4b:s7+s3] =	stream.indirect_vreg.scatter [tilespmem:s16], [sflag:$0x1], $0x80, v12, vm0, $0xb8;
	[tilespmem:$0x18100] =	vst v63  }
0x138: {  	s17 =	simm.s32 $0x13100  }
0x139: {  	[hbm4b:s8+s3] =	stream.indirect_vreg.scatter [tilespmem:s17], [sflag:$0x1], $0x80, v12, vm0, $0xb8;
	[tilespmem:$0x18100] =	vst v63  }
0x13a: {  	s16 =	simm.s32 $0x13900  }
0x13b: {  	[hbm4b:s4+s3] =	stream.indirect_vreg.scatter [tilespmem:s16], [sflag:$0x1], $0x80, v11, vm0, $0xb8;
	[tilespmem:$0x18100] =	vst v63  }
0x13c: {  	s17 =	simm.s32 $0x14100  }
0x13d: {  	[hbm4b:s7+s3] =	stream.indirect_vreg.scatter [tilespmem:s17], [sflag:$0x1], $0x80, v11, vm0, $0xb8;
	[tilespmem:$0x18100] =	vst v63  }
0x13e: {  	s16 =	simm.s32 $0x14900  }
0x13f: {  	[hbm4b:s8+s3] =	stream.indirect_vreg.scatter [tilespmem:s16], [sflag:$0x1], $0x80, v11, vm0, $0xb8;
	[tilespmem:$0x18100] =	vst v63  }
0x140: {  	v11 =	vld [tilespmem:$0xF0];
	_ =	sdelay $0x4  }
0x141: {  	v63 =	vshrl.u32 v11, $0x3  }
0x142: {  	v12 =	vmul.u32 $0x30, v63  }
0x143: {  	v11 =	vand.u32 $0x7, v11  }
0x144: {  	v11 =	vor.u32 v11, v12  }
0x145: {  	v12 =	vperm.xlane v11, v8;
	_ =	sdelay $0x1  }
0x146: {  	v12 =	vadd.s32 v9, v12;
	_ =	sdelay $0x3  }
0x147: {  	s17 =	simm.s32 $0x15100;
	v11 =	vperm.xlane v11, v10  }
0x148: {  	[hbm4b:s4+s3] =	stream.indirect_vreg.scatter [tilespmem:s17], [sflag:$0x1], $0x80, v12, vm0, $0xb8;
	[tilespmem:$0x18100] =	vst v63  }
0x149: {  	s16 =	simm.s32 $0x15900;
	v11 =	vadd.s32 v9, v11  }
0x14a: {  	[hbm4b:s7+s3] =	stream.indirect_vreg.scatter [tilespmem:s16], [sflag:$0x1], $0x80, v12, vm0, $0xb8;
	[tilespmem:$0x18100] =	vst v63  }
0x14b: {  	s17 =	simm.s32 $0x16100  }
0x14c: {  	[hbm4b:s8+s3] =	stream.indirect_vreg.scatter [tilespmem:s17], [sflag:$0x1], $0x80, v12, vm0, $0xb8;
	[tilespmem:$0x18100] =	vst v63  }
0x14d: {  	s16 =	simm.s32 $0x16900  }
0x14e: {  	[hbm4b:s4+s3] =	stream.indirect_vreg.scatter [tilespmem:s16], [sflag:$0x1], $0x80, v11, vm0, $0xb8;
	[tilespmem:$0x18100] =	vst v63  }
0x14f: {  	p0 =	sne.s32 s9, $0x1;
	s17 =	simm.s32 $0x17100  }
0x150: {  	[hbm4b:s7+s3] =	stream.indirect_vreg.scatter [tilespmem:s17], [sflag:$0x1], $0x80, v11, vm0, $0xb8;
	[tilespmem:$0x18100] =	vst v63  }
.Ltmp0:
0x151: {  	_ = 	snop;
	(pc) =	sbr.rel @p0 .LBB2_1-.Ltmp0, $4  }
0x152: {  	[hbm4b:s8+s3] =	stream.indirect_vreg.scatter [tilespmem:s0], [sflag:$0x1], $0x80, v11, vm0, $0xb8;
	[tilespmem:$0x18100] =	vst v63  }
0x153: {  	_ =	swait.ge [sflag:s15], $0x18000  }
0x154: {  	[sflag:s15] =	ssyncset.done $0x0  }
0x155: {  	s9 =	sadd.s32 $0xFFFFFFFF, s9;
	[sflag:s15] =	ssyncadd.s32 $0xFFFE8000  }
0x156: {  	_ =	sfence.sel $0x180000  }
0x157: {  	[bflag:$0x0] =	sbarrier.arrive $0xFFFF  }
0x158: {  	_ =	strace $0x90000047  }
0x159: {  	s0 =	stileid.u32;
	[bflag:$0x2] =	sbarrier.arrive $0xFFFF  }
0x15a: {  	p0 =	sne.s32 s0, $0x0;
	s0 =	rddreg [dreg:$0x2]  }
0x15b: {  	s0 =	sadd.s32 @!p0 $0x100000, s0  }
0x15c: {  	[sflag:s0] =	ssyncadd.tile.s32 @!p0 $0x1;
	_ =	shalt  }
.Lfunc_end2:
_tile_overlayer_lowered:
.L_overlay_start_2:
0x15d: {  	(tag) =	ssettag $0x2  }
0x15e: {  	s0 =	rddreg [dreg:$0x0];
	s2 =	stileid.u32  }
0x15f: {  	s1 =	rddreg [dreg:$0x1];
	p0 =	sne.s32 s2, $0x0  }
0x160: {  	s3 =	rddreg [dreg:$0x2];
	[bflag:$0x3] =	sbarrier.arrive $0xFFFF;
	s2 =	simm.s32 @!p0 $0x1C02  }
0x161: {  	[timem:s3], [sflag:s2] =	dma.local @!p0 [hbm:s0], s1  }
0x162: {  	s0 =	simm.s32 @!p0 $0x2  }
0x163: {  	_ =	swait.ge @!p0 [sflag:s0], s1  }
0x164: {  	s1 =	ssub.s32 @!p0 $0x0, s1;
	[sflag:s0] =	ssyncset.done @!p0 $0x0  }
0x165: {  	[sflag:s0] =	ssyncadd.s32 @!p0 s1  }
0x166: {  	[bflag:$0x3] =	sbarrier.arrive $0xFFFF  }
0x167: {  	_ =	shalt  }

</sc_bundles>
